<compile_context>
chip_gen: v7x
topology: tpu7x:2x2x1
jax: 0.10.2.dev20260603
libtpu: 0.0.44.dev20260713+nightly
codegen_flags: <defaults>
</compile_context>

<pallas_src>
import functools

import jax
import jax.numpy as jnp
from jax import lax
from jax.experimental import pallas as pl
from jax.experimental.pallas import tpu as pltpu
from jax.experimental.pallas import tpu_sc as plsc

H = 12
E = 8
TOP_K = 2
LN_EPS = 1e-5

F32 = jnp.float32
BF16 = jnp.bfloat16


def _ln(xv, g, b):
    mu = jnp.mean(xv, axis=-1, keepdims=True)
    var = jnp.mean((xv - mu) ** 2, axis=-1, keepdims=True)
    return (xv - mu) * jax.lax.rsqrt(var + LN_EPS) * g + b


def _mm(a, b):
    return jax.lax.dot_general(a.astype(BF16), b.astype(BF16),
                               (((1,), (0,)), ((), ())),
                               preferred_element_type=F32)


def _k1_qkv(x_ref, g_ref, b_ref, wq_ref, bq_ref, wk_ref, bk_ref, wv_ref,
            bv_ref, q_ref, k_ref, v_ref, *, scale):
    a = _ln(x_ref[...], g_ref[...], b_ref[...]).astype(BF16)
    q_ref[...] = ((_mm(a, wq_ref[...]) + bq_ref[...]) * scale).astype(BF16)
    k_ref[...] = (_mm(a, wk_ref[...]) + bk_ref[...]).astype(BF16)
    v_ref[...] = (_mm(a, wv_ref[...]) + bv_ref[...]).astype(BF16)


def _k2_attn(q_ref, k_ref, v_ref, o_ref, *, dh):
    n = q_ref.shape[1] // dh
    ones = jnp.ones((q_ref.shape[0], 1), BF16)
    for j in range(n):
        sl = slice(j * dh, (j + 1) * dh)
        s = jax.lax.dot_general(
            q_ref[:, sl], k_ref[:, sl], (((1,), (1,)), ((), ())),
            preferred_element_type=F32)
        p = jnp.exp(s).astype(BF16)
        ve = jnp.concatenate([v_ref[:, sl], ones], axis=1)
        oe = jnp.dot(p, ve, preferred_element_type=F32)
        o_ref[:, sl] = (oe[:, :dh] / oe[:, dh:dh + 1]).astype(BF16)


def _k3_proj(x_ref, ao_ref, wo_ref, bo_ref, gf_ref, bf_ref, wg_ref, bg_ref,
             x2_ref, inp_ref, logits_ref):
    o = _mm(ao_ref[...], wo_ref[...]) + bo_ref[...]
    x2 = x_ref[...] + o
    x2_ref[...] = x2
    inp = _ln(x2, gf_ref[...], bf_ref[...])
    inp_ref[...] = inp
    logits_ref[...] = jnp.dot(inp, wg_ref[...],
                              preferred_element_type=F32) + bg_ref[...]


def _k4_moe(blk_e_ref, tg_ref, wt_ref, w1_ref, b1_ref, w2_ref, b2_ref,
            out_ref):
    h = jnp.maximum(_mm(tg_ref[...], w1_ref[0]) + b1_ref[0], 0.0)
    h2 = _mm(h.astype(BF16), w2_ref[0]) + b2_ref[0]
    out_ref[...] = (h2 * wt_ref[...]).astype(BF16)


def _make_sc_gather(V, D, P):
    info = plsc.get_sparse_core_info()
    nw = info.num_cores * info.num_subcores
    b_per_w = P // nw
    ch = b_per_w
    while ch * D * 4 > 400_000:
        ch //= 2
    nch = b_per_w // ch
    mesh = plsc.VectorSubcoreMesh(core_axis_name="c", subcore_axis_name="s")

    @functools.partial(
        pl.kernel, mesh=mesh,
        out_type=jax.ShapeDtypeStruct((P, D), F32),
        scratch_types=[
            pltpu.VMEM((ch,), jnp.int32),
            pltpu.VMEM((ch, D), F32),
            pltpu.SemaphoreType.DMA,
        ],
    )
    def k(table_hbm, idx_hbm, out_hbm, idx_v, rows_v, sem):
        wid = lax.axis_index("s") * info.num_cores + lax.axis_index("c")
        base = wid * b_per_w
        for c in range(nch):
            off = base + c * ch
            pltpu.sync_copy(idx_hbm.at[pl.ds(off, ch)], idx_v)
            pltpu.async_copy(table_hbm.at[idx_v], rows_v, sem).wait()
            pltpu.sync_copy(rows_v, out_hbm.at[pl.ds(off, ch)])

    return k


def _k5_final(x2_ref, inp_ref, core_ref, gm_ref, bm_ref, out_ref):
    o2 = _ln(inp_ref[...] + core_ref[...].astype(F32),
             gm_ref[...], bm_ref[...])
    out_ref[...] = x2_ref[...] + o2


def kernel(x, Wq, bq, Wk, bk, Wv, bv, Wo, bo, g_attn, b_attn, g_ff, b_ff,
           g_moe, b_moe, Wg, bg, W1, b1, W2, b2):
    B, S, D = x.shape
    dh = D // H
    Dff = W1.shape[-1]
    x2d = x.reshape(S, D)
    row = lambda a: a.reshape(1, -1)

    SB = 256
    NS = S // SB

    par = pltpu.CompilerParams(dimension_semantics=("parallel",))
    full = pl.BlockSpec((1, D), lambda i: (0, 0))
    q, k, v = pl.pallas_call(
        functools.partial(_k1_qkv, scale=1.0 / (dh ** 0.5)),
        grid=(NS,),
        in_specs=[pl.BlockSpec((SB, D), lambda i: (i, 0)), full, full,
                  pl.BlockSpec((D, D), lambda i: (0, 0)), full,
                  pl.BlockSpec((D, D), lambda i: (0, 0)), full,
                  pl.BlockSpec((D, D), lambda i: (0, 0)), full],
        out_specs=[pl.BlockSpec((SB, D), lambda i: (i, 0))] * 3,
        out_shape=[jax.ShapeDtypeStruct((S, D), BF16)] * 3,
        compiler_params=par,
    )(x2d, row(g_attn), row(b_attn), Wq, row(bq), Wk, row(bk), Wv, row(bv))

    HPB = 2
    head = pl.BlockSpec((S, HPB * dh), lambda h: (0, h))
    ao = pl.pallas_call(
        functools.partial(_k2_attn, dh=dh),
        grid=(H // HPB,),
        in_specs=[head, head, head],
        out_specs=head,
        out_shape=jax.ShapeDtypeStruct((S, D), BF16),
        compiler_params=par,
    )(q, k, v)

    EP = 128
    Wg_p = jnp.zeros((D, EP), F32).at[:, :E].set(Wg)
    bg_p = jnp.zeros((1, EP), F32).at[0, :E].set(bg)
    x2, inp, logits_p = pl.pallas_call(
        _k3_proj,
        grid=(NS,),
        in_specs=[pl.BlockSpec((SB, D), lambda i: (i, 0)),
                  pl.BlockSpec((SB, D), lambda i: (i, 0)),
                  pl.BlockSpec((D, D), lambda i: (0, 0)), full, full, full,
                  pl.BlockSpec((D, EP), lambda i: (0, 0)),
                  pl.BlockSpec((1, EP), lambda i: (0, 0))],
        out_specs=[pl.BlockSpec((SB, D), lambda i: (i, 0)),
                   pl.BlockSpec((SB, D), lambda i: (i, 0)),
                   pl.BlockSpec((SB, EP), lambda i: (i, 0))],
        out_shape=[jax.ShapeDtypeStruct((S, D), F32)] * 2
        + [jax.ShapeDtypeStruct((S, EP), F32)],
        compiler_params=par,
    )(x2d, ao, Wo, row(bo), row(g_ff), row(b_ff), Wg_p, bg_p)

    logits = logits_p[:, :E]
    topv, topi = jax.lax.top_k(logits, TOP_K)
    sc = jax.nn.softmax(topv, axis=-1)

    TB = 256
    NBLK = (TOP_K * S) // TB + E
    P = NBLK * TB
    NA = TOP_K * S

    i32 = jnp.int32
    ex = topi.reshape(-1).astype(i32)
    wts = sc.reshape(-1)
    onehot = (ex[:, None] == jnp.arange(E, dtype=i32)[None, :]).astype(i32)
    csum = jnp.cumsum(onehot, axis=0)
    rank = ((csum - onehot) * onehot).sum(axis=1)
    counts = csum[-1]
    nblk = (counts + TB - 1) // TB
    bstart = jnp.concatenate(
        [jnp.zeros((1,), i32), jnp.cumsum(nblk)[:-1].astype(i32)])
    pstart = bstart * TB

    bids = jnp.arange(NBLK, dtype=i32)
    blk_e = ((bids[:, None] >= bstart[None, :]).sum(axis=1) - 1).astype(i32)

    padpos = (onehot * pstart[None, :]).sum(axis=1) + rank
    tok = jnp.arange(NA, dtype=i32) // TOP_K
    packed = jnp.stack([tok.astype(F32), wts], axis=1)
    spad = jnp.zeros((P, 2), F32).at[padpos].set(packed)
    src_tok = spad[:, 0].astype(i32)
    wt_p = spad[:, 1]

    tg = _make_sc_gather(S, D, P)(inp, src_tok)

    core_parts = pl.pallas_call(
        _k4_moe,
        grid_spec=pltpu.PrefetchScalarGridSpec(
            num_scalar_prefetch=1,
            grid=(NBLK,),
            in_specs=[
                pl.BlockSpec((TB, D), lambda i, be: (i, 0)),
                pl.BlockSpec((TB, 1), lambda i, be: (i, 0)),
                pl.BlockSpec((1, D, Dff), lambda i, be: (be[i], 0, 0)),
                pl.BlockSpec((1, 1, Dff), lambda i, be: (be[i], 0, 0)),
                pl.BlockSpec((1, Dff, D), lambda i, be: (be[i], 0, 0)),
                pl.BlockSpec((1, 1, D), lambda i, be: (be[i], 0, 0)),
            ],
            out_specs=pl.BlockSpec((TB, D), lambda i, be: (i, 0)),
        ),
        out_shape=jax.ShapeDtypeStruct((P, D), BF16),
    )(blk_e, tg, wt_p.reshape(P, 1), W1, b1.reshape(E, 1, Dff),
      W2, b2.reshape(E, 1, D))

    pp = padpos.reshape(S, TOP_K)
    core = core_parts[pp[:, 0]] + core_parts[pp[:, 1]]

    out = pl.pallas_call(
        _k5_final,
        grid=(NS,),
        in_specs=[pl.BlockSpec((SB, D), lambda i: (i, 0)),
                  pl.BlockSpec((SB, D), lambda i: (i, 0)),
                  pl.BlockSpec((SB, D), lambda i: (i, 0)), full, full],
        out_specs=pl.BlockSpec((SB, D), lambda i: (i, 0)),
        out_shape=jax.ShapeDtypeStruct((S, D), F32),
        compiler_params=par,
    )(x2, inp, core, row(g_moe), row(b_moe))

    return out.reshape(B, S, D)

# --- scband reference (transcript-rebuilt; emitter-appended) ---
"""Pipeline reference for scband-transformer-layer-4973572128772 (READ-ONLY COPY).

The authoritative reference and input builder live on the scoring server;
editing this copy changes nothing except your own understanding.
"""

import jax, jax.numpy as jnp
import numpy as np

H = 12
E = 8
TOP_K = 2


def layer_norm(x, g, b):
    mu = jnp.mean(x, axis=-1, keepdims=True)
    var = jnp.var(x, axis=-1, keepdims=True)
    return (x - mu) / jnp.sqrt(var + 1e-5) * g + b


def setup_inputs(seed: int = 0) -> dict:
    key = jax.random.key(seed)
    D = 768
    Dff = 1536
    ks = jax.random.split(key, 24)

    def w(k, shape, scale=0.02):
        return jax.random.normal(k, shape, dtype=jnp.float32) * scale

    inp = {}
    inp["x"] = jax.random.normal(ks[0], (1, 2048, D), dtype=jnp.float32)
    inp["Wq"] = w(ks[1], (D, D)); inp["bq"] = jnp.zeros((D,), jnp.float32)
    inp["Wk"] = w(ks[2], (D, D)); inp["bk"] = jnp.zeros((D,), jnp.float32)
    inp["Wv"] = w(ks[3], (D, D)); inp["bv"] = jnp.zeros((D,), jnp.float32)
    inp["Wo"] = w(ks[4], (D, D)); inp["bo"] = jnp.zeros((D,), jnp.float32)
    inp["g_attn"] = jnp.ones((D,), jnp.float32); inp["b_attn"] = jnp.zeros((D,), jnp.float32)
    inp["g_ff"] = jnp.ones((D,), jnp.float32); inp["b_ff"] = jnp.zeros((D,), jnp.float32)
    inp["g_moe"] = jnp.ones((D,), jnp.float32); inp["b_moe"] = jnp.zeros((D,), jnp.float32)
    inp["Wg"] = w(ks[5], (D, E)); inp["bg"] = jnp.zeros((E,), jnp.float32)
    inp["W1"] = w(ks[6], (E, D, Dff)); inp["b1"] = jnp.zeros((E, Dff), jnp.float32)
    inp["W2"] = w(ks[7], (E, Dff, D)); inp["b2"] = jnp.zeros((E, D), jnp.float32)
    return inp


def reference(x, Wq, bq, Wk, bk, Wv, bv, Wo, bo, g_attn, b_attn, g_ff, b_ff, g_moe, b_moe, Wg, bg, W1, b1, W2, b2):
    B, S, D = x.shape
    dh = D // H
    # pre-LN multi-head self-attention (past=None, mask=None), dropout=0
    a = layer_norm(x, g_attn, b_attn)
    q = (a @ Wq + bq).reshape(B, S, H, dh).transpose(0, 2, 1, 3)
    k = (a @ Wk + bk).reshape(B, S, H, dh).transpose(0, 2, 1, 3)
    v = (a @ Wv + bv).reshape(B, S, H, dh).transpose(0, 2, 1, 3)
    att = jax.nn.softmax(jnp.matmul(q, k.transpose(0, 1, 3, 2)) / jnp.sqrt(jnp.float32(dh)), axis=-1)
    o = jnp.matmul(att, v).transpose(0, 2, 1, 3).reshape(B, S, D) @ Wo + bo
    x = x + o
    # MoE positionwise FF (post-lnorm inside CustomizedMoEPositionwiseFF)
    inp = layer_norm(x, g_ff, b_ff)
    t = inp.reshape(-1, D)
    logits = t @ Wg + bg  # NaiveGate linear
    topv, topi = jax.lax.top_k(logits, TOP_K)
    scores = jax.nn.softmax(topv, axis=-1)  # softmax over selected top-k logits
    core = jnp.zeros_like(t)
    for e in range(E):
        h = jax.nn.relu(t @ W1[e] + b1[e]) @ W2[e] + b2[e]
        we = jnp.sum(jnp.where(topi == e, scores, jnp.float32(0.0)), axis=-1)
        core = core + we[:, None] * h
    core = core.reshape(B, S, D)
    o2 = layer_norm(inp + core, g_moe, b_moe)
    return x + o2

if __name__ == "__main__":
    import jax
    _d = setup_inputs()
    print(jax.jit(kernel)(*tuple(_d.values())))

</pallas_src>

<mosaic_0001>
#map = affine_map<(d0, d1) -> (0, 0)>
#map1 = affine_map<(d0, d1) -> (0)>
module attributes {stable_mosaic.version = 14 : i64} {
  func.func @k(%arg0: i32, %arg1: i32, %arg2: memref<2048x768xf32, #tpu.memory_space<hbm>>, %arg3: memref<6144xi32, #tpu.memory_space<hbm>>, %arg4: memref<6144x768xf32, #tpu.memory_space<hbm>>, %arg5: memref<96xi32, #tpu.memory_space<vmem>>, %arg6: memref<96x768xf32, #tpu.memory_space<vmem>>, %arg7: memref<!tpu.dma_semaphore, #tpu.memory_space<semaphore_mem>>) attributes {dimension_semantics = [#tpu.dimension_semantics<core_parallel>, #tpu.dimension_semantics<subcore_parallel>], iteration_bounds = array<i64: 2, 16>, scalar_prefetch = 0 : i64, scratch_operands = 3 : i64, tpu.core_type = #tpu.core_type<sc_vector_subcore>, window_params = [{transform_indices = #map}, {transform_indices = #map1}, {transform_indices = #map}]} {
    %mul3A = arith.constant 2 : i32
    %mul3A_0 = arith.muli %arg1, %mul3A : i32
    %add3A = arith.addi %mul3A_0, %arg0 : i32
    %mul3A_1 = arith.constant 192 : i32
    %mul3A_2 = arith.muli %add3A, %mul3A_1 : i32
    %add3A_3 = arith.constant 0 : i32
    %add3A_4 = arith.addi %mul3A_2, %add3A_3 : i32
    "tpu.region"() ({
      %run_scoped3A = tpu.sem_alloc : memref<!tpu.dma_semaphore, #tpu.memory_space<semaphore_mem>>
      %dma_start3A_17 = tpu.memref_slice %arg3[%add3A_4] : memref<6144xi32, #tpu.memory_space<hbm>> -> memref<96xi32, #tpu.memory_space<hbm>>
      %dma_start3A_18 = tpu.memref_slice %arg3[%add3A_4] : memref<6144xi32, #tpu.memory_space<hbm>> -> memref<96xi32, #tpu.memory_space<hbm>>
      tpu.enqueue_dma source(%dma_start3A_18 : memref<96xi32, #tpu.memory_space<hbm>>) target(%arg5 : memref<96xi32, #tpu.memory_space<vmem>>) target_semaphore(%run_scoped3A : memref<!tpu.dma_semaphore, #tpu.memory_space<semaphore_mem>>)
      %dma_wait3A_19 = tpu.memref_slice %arg3[%add3A_4] : memref<6144xi32, #tpu.memory_space<hbm>> -> memref<96xi32, #tpu.memory_space<hbm>>
      %dma_wait3A_20 = tpu.memref_slice %arg3[%add3A_4] : memref<6144xi32, #tpu.memory_space<hbm>> -> memref<96xi32, #tpu.memory_space<hbm>>
      tpu.wait_dma2 semaphore(%run_scoped3A : memref<!tpu.dma_semaphore, #tpu.memory_space<semaphore_mem>>) src(%dma_wait3A_20 : memref<96xi32, #tpu.memory_space<hbm>>) dst(%arg5 : memref<96xi32, #tpu.memory_space<vmem>>)
      tpu.yield
    }) : () -> ()
    %dma_start3A = arith.constant 0 : i32
    %dma_start3A_5 = arith.constant 0 : i32
    %dma_start3A_6 = tpu.memref_slice %arg2[%dma_start3A, %dma_start3A_5] : memref<2048x768xf32, #tpu.memory_space<hbm>> -> memref<2048x768xf32, #tpu.memory_space<hbm>>
    tpu.enqueue_indirect_dma source(%dma_start3A_6 : memref<2048x768xf32, #tpu.memory_space<hbm>>) target(%arg6 : memref<96x768xf32, #tpu.memory_space<vmem>>) offsets(%arg5 : memref<96xi32, #tpu.memory_space<vmem>>) semaphore(%arg7 : memref<!tpu.dma_semaphore, #tpu.memory_space<semaphore_mem>>)
    %dma_wait3A = arith.constant 0 : i32
    %dma_wait3A_7 = arith.constant 0 : i32
    %dma_wait3A_8 = tpu.memref_slice %arg2[%dma_wait3A, %dma_wait3A_7] : memref<2048x768xf32, #tpu.memory_space<hbm>> -> memref<2048x768xf32, #tpu.memory_space<hbm>>
    tpu.wait_indirect_dma semaphore(%arg7 : memref<!tpu.dma_semaphore, #tpu.memory_space<semaphore_mem>>) src(%dma_wait3A_8 : memref<2048x768xf32, #tpu.memory_space<hbm>>) dst(%arg6 : memref<96x768xf32, #tpu.memory_space<vmem>>)
    "tpu.region"() ({
      %run_scoped3A = tpu.sem_alloc : memref<!tpu.dma_semaphore, #tpu.memory_space<semaphore_mem>>
      %dma_start3A_17 = arith.constant 0 : i32
      %dma_start3A_18 = tpu.memref_slice %arg4[%add3A_4, %dma_start3A_17] : memref<6144x768xf32, #tpu.memory_space<hbm>> -> memref<96x768xf32, #tpu.memory_space<hbm>>
      %dma_start3A_19 = arith.constant 0 : i32
      %dma_start3A_20 = tpu.memref_slice %arg4[%add3A_4, %dma_start3A_19] : memref<6144x768xf32, #tpu.memory_space<hbm>> -> memref<96x768xf32, #tpu.memory_space<hbm>>
      tpu.enqueue_dma source(%arg6 : memref<96x768xf32, #tpu.memory_space<vmem>>) target(%dma_start3A_20 : memref<96x768xf32, #tpu.memory_space<hbm>>) target_semaphore(%run_scoped3A : memref<!tpu.dma_semaphore, #tpu.memory_space<semaphore_mem>>)
      %dma_wait3A_21 = arith.constant 0 : i32
      %dma_wait3A_22 = tpu.memref_slice %arg4[%add3A_4, %dma_wait3A_21] : memref<6144x768xf32, #tpu.memory_space<hbm>> -> memref<96x768xf32, #tpu.memory_space<hbm>>
      %dma_wait3A_23 = arith.constant 0 : i32
      %dma_wait3A_24 = tpu.memref_slice %arg4[%add3A_4, %dma_wait3A_23] : memref<6144x768xf32, #tpu.memory_space<hbm>> -> memref<96x768xf32, #tpu.memory_space<hbm>>
      tpu.wait_dma2 semaphore(%run_scoped3A : memref<!tpu.dma_semaphore, #tpu.memory_space<semaphore_mem>>) src(%arg6 : memref<96x768xf32, #tpu.memory_space<vmem>>) dst(%dma_wait3A_24 : memref<96x768xf32, #tpu.memory_space<hbm>>)
      tpu.yield
    }) : () -> ()
    %add3A_9 = arith.constant 96 : i32
    %add3A_10 = arith.addi %mul3A_2, %add3A_9 : i32
    "tpu.region"() ({
      %run_scoped3A = tpu.sem_alloc : memref<!tpu.dma_semaphore, #tpu.memory_space<semaphore_mem>>
      %dma_start3A_17 = tpu.memref_slice %arg3[%add3A_10] : memref<6144xi32, #tpu.memory_space<hbm>> -> memref<96xi32, #tpu.memory_space<hbm>>
      %dma_start3A_18 = tpu.memref_slice %arg3[%add3A_10] : memref<6144xi32, #tpu.memory_space<hbm>> -> memref<96xi32, #tpu.memory_space<hbm>>
      tpu.enqueue_dma source(%dma_start3A_18 : memref<96xi32, #tpu.memory_space<hbm>>) target(%arg5 : memref<96xi32, #tpu.memory_space<vmem>>) target_semaphore(%run_scoped3A : memref<!tpu.dma_semaphore, #tpu.memory_space<semaphore_mem>>)
      %dma_wait3A_19 = tpu.memref_slice %arg3[%add3A_10] : memref<6144xi32, #tpu.memory_space<hbm>> -> memref<96xi32, #tpu.memory_space<hbm>>
      %dma_wait3A_20 = tpu.memref_slice %arg3[%add3A_10] : memref<6144xi32, #tpu.memory_space<hbm>> -> memref<96xi32, #tpu.memory_space<hbm>>
      tpu.wait_dma2 semaphore(%run_scoped3A : memref<!tpu.dma_semaphore, #tpu.memory_space<semaphore_mem>>) src(%dma_wait3A_20 : memref<96xi32, #tpu.memory_space<hbm>>) dst(%arg5 : memref<96xi32, #tpu.memory_space<vmem>>)
      tpu.yield
    }) : () -> ()
    %dma_start3A_11 = arith.constant 0 : i32
    %dma_start3A_12 = arith.constant 0 : i32
    %dma_start3A_13 = tpu.memref_slice %arg2[%dma_start3A_11, %dma_start3A_12] : memref<2048x768xf32, #tpu.memory_space<hbm>> -> memref<2048x768xf32, #tpu.memory_space<hbm>>
    tpu.enqueue_indirect_dma source(%dma_start3A_13 : memref<2048x768xf32, #tpu.memory_space<hbm>>) target(%arg6 : memref<96x768xf32, #tpu.memory_space<vmem>>) offsets(%arg5 : memref<96xi32, #tpu.memory_space<vmem>>) semaphore(%arg7 : memref<!tpu.dma_semaphore, #tpu.memory_space<semaphore_mem>>)
    %dma_wait3A_14 = arith.constant 0 : i32
    %dma_wait3A_15 = arith.constant 0 : i32
    %dma_wait3A_16 = tpu.memref_slice %arg2[%dma_wait3A_14, %dma_wait3A_15] : memref<2048x768xf32, #tpu.memory_space<hbm>> -> memref<2048x768xf32, #tpu.memory_space<hbm>>
    tpu.wait_indirect_dma semaphore(%arg7 : memref<!tpu.dma_semaphore, #tpu.memory_space<semaphore_mem>>) src(%dma_wait3A_16 : memref<2048x768xf32, #tpu.memory_space<hbm>>) dst(%arg6 : memref<96x768xf32, #tpu.memory_space<vmem>>)
    "tpu.region"() ({
      %run_scoped3A = tpu.sem_alloc : memref<!tpu.dma_semaphore, #tpu.memory_space<semaphore_mem>>
      %dma_start3A_17 = arith.constant 0 : i32
      %dma_start3A_18 = tpu.memref_slice %arg4[%add3A_10, %dma_start3A_17] : memref<6144x768xf32, #tpu.memory_space<hbm>> -> memref<96x768xf32, #tpu.memory_space<hbm>>
      %dma_start3A_19 = arith.constant 0 : i32
      %dma_start3A_20 = tpu.memref_slice %arg4[%add3A_10, %dma_start3A_19] : memref<6144x768xf32, #tpu.memory_space<hbm>> -> memref<96x768xf32, #tpu.memory_space<hbm>>
      tpu.enqueue_dma source(%arg6 : memref<96x768xf32, #tpu.memory_space<vmem>>) target(%dma_start3A_20 : memref<96x768xf32, #tpu.memory_space<hbm>>) target_semaphore(%run_scoped3A : memref<!tpu.dma_semaphore, #tpu.memory_space<semaphore_mem>>)
      %dma_wait3A_21 = arith.constant 0 : i32
      %dma_wait3A_22 = tpu.memref_slice %arg4[%add3A_10, %dma_wait3A_21] : memref<6144x768xf32, #tpu.memory_space<hbm>> -> memref<96x768xf32, #tpu.memory_space<hbm>>
      %dma_wait3A_23 = arith.constant 0 : i32
      %dma_wait3A_24 = tpu.memref_slice %arg4[%add3A_10, %dma_wait3A_23] : memref<6144x768xf32, #tpu.memory_space<hbm>> -> memref<96x768xf32, #tpu.memory_space<hbm>>
      tpu.wait_dma2 semaphore(%run_scoped3A : memref<!tpu.dma_semaphore, #tpu.memory_space<semaphore_mem>>) src(%arg6 : memref<96x768xf32, #tpu.memory_space<vmem>>) dst(%dma_wait3A_24 : memref<96x768xf32, #tpu.memory_space<hbm>>)
      tpu.yield
    }) : () -> ()
    return
  }
}

module attributes {stable_mosaic.version = 14 : i64} {
  func.func @_k2_attn(%arg0: i32, %arg1: memref<2048x128xbf16, #tpu.memory_space<vmem>>, %arg2: memref<2048x128xbf16, #tpu.memory_space<vmem>>, %arg3: memref<2048x128xbf16, #tpu.memory_space<vmem>>, %arg4: memref<2048x128xbf16, #tpu.memory_space<vmem>>) attributes {dimension_semantics = [#tpu.dimension_semantics<parallel>], iteration_bounds = array<i64: 6>, scalar_prefetch = 0 : i64, scratch_operands = 0 : i64, tpu.core_type = #tpu.core_type<tc>, window_params = [{transform_indices = @transform_0, window_bounds = array<i64: 2048, 128>}, {transform_indices = @transform_1, window_bounds = array<i64: 2048, 128>}, {transform_indices = @transform_2, window_bounds = array<i64: 2048, 128>}, {transform_indices = @transform_3, window_bounds = array<i64: 2048, 128>}]} {
    %broadcast_in_dim3A = arith.constant 1.000000e+00 : bf16
    %broadcast_in_dim3A_0 = vector.broadcast %broadcast_in_dim3A : bf16 to vector<2048x1xbf16>
    %get3A = arith.constant 0 : index
    %get3A_1 = arith.constant 0 : index
    %get3A_2 = vector.load %arg1[%get3A, %get3A_1] : memref<2048x128xbf16, #tpu.memory_space<vmem>>, vector<2048x64xbf16>
    %get3A_3 = arith.constant 0 : index
    %get3A_4 = arith.constant 0 : index
    %get3A_5 = vector.load %arg2[%get3A_3, %get3A_4] : memref<2048x128xbf16, #tpu.memory_space<vmem>>, vector<2048x64xbf16>
    %dot_general3A = arith.constant dense<0.000000e+00> : vector<2048x2048xf32>
    %dot_general3A_6 = tpu.matmul %get3A_2, %get3A_5, %dot_general3A {dimension_numbers = #tpu.dot_dimension_numbers<[1], [1], [0], [0], [0, 0, 1, 0], [], []>, transpose_lhs_hint = false} : vector<2048x64xbf16>, vector<2048x64xbf16>, vector<2048x2048xf32> -> vector<2048x2048xf32>
    %exp3A = math.exp %dot_general3A_6 : vector<2048x2048xf32>
    %convert_element_type3A = arith.truncf %exp3A : vector<2048x2048xf32> to vector<2048x2048xbf16>
    %get3A_7 = arith.constant 0 : index
    %get3A_8 = arith.constant 0 : index
    %get3A_9 = vector.load %arg3[%get3A_7, %get3A_8] : memref<2048x128xbf16, #tpu.memory_space<vmem>>, vector<2048x64xbf16>
    %concatenate3A = tpu.concatenate %get3A_9, %broadcast_in_dim3A_0 in 1 : vector<2048x64xbf16>, vector<2048x1xbf16> -> vector<2048x65xbf16>
    %dot_general3A_10 = arith.constant dense<0.000000e+00> : vector<2048x65xf32>
    %dot_general3A_11 = tpu.matmul %convert_element_type3A, %concatenate3A, %dot_general3A_10 {dimension_numbers = #tpu.dot_dimension_numbers<[1], [0], [0], [1], [0, 0, 1, 1], [], []>, transpose_lhs_hint = false} : vector<2048x2048xbf16>, vector<2048x65xbf16>, vector<2048x65xf32> -> vector<2048x65xf32>
    %slice3A = vector.extract_strided_slice %dot_general3A_11 {offsets = [0, 0], sizes = [2048, 64], strides = [1, 1]} : vector<2048x65xf32> to vector<2048x64xf32>
    %slice3A_12 = vector.extract_strided_slice %dot_general3A_11 {offsets = [0, 64], sizes = [2048, 1], strides = [1, 1]} : vector<2048x65xf32> to vector<2048x1xf32>
    %div3A = vector.broadcast %slice3A_12 : vector<2048x1xf32> to vector<2048x64xf32>
    %div3A_13 = arith.divf %slice3A, %div3A : vector<2048x64xf32>
    %convert_element_type3A_14 = arith.truncf %div3A_13 : vector<2048x64xf32> to vector<2048x64xbf16>
    %swap3A = arith.constant 0 : index
    %swap3A_15 = arith.constant 0 : index
    %swap3A_16 = vector.load %arg4[%swap3A, %swap3A_15] : memref<2048x128xbf16, #tpu.memory_space<vmem>>, vector<2048x64xbf16>
    tpu.vector_store %arg4[%swap3A, %swap3A_15], %convert_element_type3A_14 {strides = array<i32>} : memref<2048x128xbf16, #tpu.memory_space<vmem>>, vector<2048x64xbf16>,
    %get3A_17 = arith.constant 0 : index
    %get3A_18 = arith.constant 64 : index
    %get3A_19 = vector.load %arg1[%get3A_17, %get3A_18] : memref<2048x128xbf16, #tpu.memory_space<vmem>>, vector<2048x64xbf16>
    %get3A_20 = arith.constant 0 : index
    %get3A_21 = arith.constant 64 : index
    %get3A_22 = vector.load %arg2[%get3A_20, %get3A_21] : memref<2048x128xbf16, #tpu.memory_space<vmem>>, vector<2048x64xbf16>
    %dot_general3A_23 = arith.constant dense<0.000000e+00> : vector<2048x2048xf32>
    %dot_general3A_24 = tpu.matmul %get3A_19, %get3A_22, %dot_general3A_23 {dimension_numbers = #tpu.dot_dimension_numbers<[1], [1], [0], [0], [0, 0, 1, 0], [], []>, transpose_lhs_hint = false} : vector<2048x64xbf16>, vector<2048x64xbf16>, vector<2048x2048xf32> -> vector<2048x2048xf32>
    %exp3A_25 = math.exp %dot_general3A_24 : vector<2048x2048xf32>
    %convert_element_type3A_26 = arith.truncf %exp3A_25 : vector<2048x2048xf32> to vector<2048x2048xbf16>
    %get3A_27 = arith.constant 0 : index
    %get3A_28 = arith.constant 64 : index
    %get3A_29 = vector.load %arg3[%get3A_27, %get3A_28] : memref<2048x128xbf16, #tpu.memory_space<vmem>>, vector<2048x64xbf16>
    %concatenate3A_30 = tpu.concatenate %get3A_29, %broadcast_in_dim3A_0 in 1 : vector<2048x64xbf16>, vector<2048x1xbf16> -> vector<2048x65xbf16>
    %dot_general3A_31 = arith.constant dense<0.000000e+00> : vector<2048x65xf32>
    %dot_general3A_32 = tpu.matmul %convert_element_type3A_26, %concatenate3A_30, %dot_general3A_31 {dimension_numbers = #tpu.dot_dimension_numbers<[1], [0], [0], [1], [0, 0, 1, 1], [], []>, transpose_lhs_hint = false} : vector<2048x2048xbf16>, vector<2048x65xbf16>, vector<2048x65xf32> -> vector<2048x65xf32>
    %slice3A_33 = vector.extract_strided_slice %dot_general3A_32 {offsets = [0, 0], sizes = [2048, 64], strides = [1, 1]} : vector<2048x65xf32> to vector<2048x64xf32>
    %slice3A_34 = vector.extract_strided_slice %dot_general3A_32 {offsets = [0, 64], sizes = [2048, 1], strides = [1, 1]} : vector<2048x65xf32> to vector<2048x1xf32>
    %div3A_35 = vector.broadcast %slice3A_34 : vector<2048x1xf32> to vector<2048x64xf32>
    %div3A_36 = arith.divf %slice3A_33, %div3A_35 : vector<2048x64xf32>
    %convert_element_type3A_37 = arith.truncf %div3A_36 : vector<2048x64xf32> to vector<2048x64xbf16>
    %swap3A_38 = arith.constant 0 : index
    %swap3A_39 = arith.constant 64 : index
    %swap3A_40 = vector.load %arg4[%swap3A_38, %swap3A_39] : memref<2048x128xbf16, #tpu.memory_space<vmem>>, vector<2048x64xbf16>
    tpu.vector_store %arg4[%swap3A_38, %swap3A_39], %convert_element_type3A_37 {strides = array<i32>} : memref<2048x128xbf16, #tpu.memory_space<vmem>>, vector<2048x64xbf16>,
    return
  }
  func.func @transform_0(%arg0: i32) -> (i32, i32) {
    %c0_i32 = arith.constant 0 : i32
    %c0_i32_0 = arith.constant 0 : i32
    return %c0_i32, %arg0 : i32, i32
  }
  func.func @transform_1(%arg0: i32) -> (i32, i32) {
    %c0_i32 = arith.constant 0 : i32
    %c0_i32_0 = arith.constant 0 : i32
    return %c0_i32, %arg0 : i32, i32
  }
  func.func @transform_2(%arg0: i32) -> (i32, i32) {
    %c0_i32 = arith.constant 0 : i32
    %c0_i32_0 = arith.constant 0 : i32
    return %c0_i32, %arg0 : i32, i32
  }
  func.func @transform_3(%arg0: i32) -> (i32, i32) {
    %c0_i32 = arith.constant 0 : i32
    %c0_i32_0 = arith.constant 0 : i32
    return %c0_i32, %arg0 : i32, i32
  }
}

module attributes {stable_mosaic.version = 14 : i64} {
  func.func @_k1_qkv(%arg0: i32, %arg1: memref<256x768xf32, #tpu.memory_space<vmem>>, %arg2: memref<1x768xf32, #tpu.memory_space<vmem>>, %arg3: memref<1x768xf32, #tpu.memory_space<vmem>>, %arg4: memref<768x768xf32, #tpu.memory_space<vmem>>, %arg5: memref<1x768xf32, #tpu.memory_space<vmem>>, %arg6: memref<768x768xf32, #tpu.memory_space<vmem>>, %arg7: memref<1x768xf32, #tpu.memory_space<vmem>>, %arg8: memref<768x768xf32, #tpu.memory_space<vmem>>, %arg9: memref<1x768xf32, #tpu.memory_space<vmem>>, %arg10: memref<256x768xbf16, #tpu.memory_space<vmem>>, %arg11: memref<256x768xbf16, #tpu.memory_space<vmem>>, %arg12: memref<256x768xbf16, #tpu.memory_space<vmem>>) attributes {dimension_semantics = [#tpu.dimension_semantics<parallel>], iteration_bounds = array<i64: 8>, scalar_prefetch = 0 : i64, scratch_operands = 0 : i64, tpu.core_type = #tpu.core_type<tc>, window_params = [{transform_indices = @transform_0, window_bounds = array<i64: 256, 768>}, {pipeline_mode = #tpu.pipeline_mode<synchronous>, transform_indices = @transform_1, window_bounds = array<i64: 1, 768>}, {pipeline_mode = #tpu.pipeline_mode<synchronous>, transform_indices = @transform_2, window_bounds = array<i64: 1, 768>}, {pipeline_mode = #tpu.pipeline_mode<synchronous>, transform_indices = @transform_3, window_bounds = array<i64: 768, 768>}, {pipeline_mode = #tpu.pipeline_mode<synchronous>, transform_indices = @transform_4, window_bounds = array<i64: 1, 768>}, {pipeline_mode = #tpu.pipeline_mode<synchronous>, transform_indices = @transform_5, window_bounds = array<i64: 768, 768>}, {pipeline_mode = #tpu.pipeline_mode<synchronous>, transform_indices = @transform_6, window_bounds = array<i64: 1, 768>}, {pipeline_mode = #tpu.pipeline_mode<synchronous>, transform_indices = @transform_7, window_bounds = array<i64: 768, 768>}, {pipeline_mode = #tpu.pipeline_mode<synchronous>, transform_indices = @transform_8, window_bounds = array<i64: 1, 768>}, {transform_indices = @transform_9, window_bounds = array<i64: 256, 768>}, {transform_indices = @transform_10, window_bounds = array<i64: 256, 768>}, {transform_indices = @transform_11, window_bounds = array<i64: 256, 768>}]} {
    %get3A = arith.constant 0 : index
    %get3A_0 = arith.constant 0 : index
    %get3A_1 = vector.load %arg1[%get3A, %get3A_0] : memref<256x768xf32, #tpu.memory_space<vmem>>, vector<256x768xf32>
    %get3A_2 = arith.constant 0 : index
    %get3A_3 = arith.constant 0 : index
    %get3A_4 = vector.load %arg2[%get3A_2, %get3A_3] : memref<1x768xf32, #tpu.memory_space<vmem>>, vector<1x768xf32>
    %get3A_5 = arith.constant 0 : index
    %get3A_6 = arith.constant 0 : index
    %get3A_7 = vector.load %arg3[%get3A_5, %get3A_6] : memref<1x768xf32, #tpu.memory_space<vmem>>, vector<1x768xf32>
    %reduce_sum3A = arith.constant dense<0.000000e+00> : vector<256xf32>
    %reduce_sum3A_8 = vector.multi_reduction <add>, %get3A_1, %reduce_sum3A [1] : vector<256x768xf32> to vector<256xf32>
    %broadcast_in_dim3A = vector.shape_cast %reduce_sum3A_8 : vector<256xf32> to vector<256x1xf32>
    %div3A = arith.constant 7.680000e+02 : f32
    %div3A_9 = vector.broadcast %div3A : f32 to vector<256x1xf32>
    %div3A_10 = arith.divf %broadcast_in_dim3A, %div3A_9 : vector<256x1xf32>
    %sub3A = vector.broadcast %div3A_10 : vector<256x1xf32> to vector<256x768xf32>
    %sub3A_11 = arith.subf %get3A_1, %sub3A : vector<256x768xf32>
    %integer_pow3A = arith.mulf %sub3A_11, %sub3A_11 : vector<256x768xf32>
    %reduce_sum3A_12 = arith.constant dense<0.000000e+00> : vector<256xf32>
    %reduce_sum3A_13 = vector.multi_reduction <add>, %integer_pow3A, %reduce_sum3A_12 [1] : vector<256x768xf32> to vector<256xf32>
    %broadcast_in_dim3A_14 = vector.shape_cast %reduce_sum3A_13 : vector<256xf32> to vector<256x1xf32>
    %div3A_15 = arith.constant 7.680000e+02 : f32
    %div3A_16 = vector.broadcast %div3A_15 : f32 to vector<256x1xf32>
    %div3A_17 = arith.divf %broadcast_in_dim3A_14, %div3A_16 : vector<256x1xf32>
    %sub3A_18 = vector.broadcast %div3A_10 : vector<256x1xf32> to vector<256x768xf32>
    %sub3A_19 = arith.subf %get3A_1, %sub3A_18 : vector<256x768xf32>
    %add3A = arith.constant 9.99999974E-6 : f32
    %add3A_20 = vector.broadcast %add3A : f32 to vector<256x1xf32>
    %add3A_21 = arith.addf %div3A_17, %add3A_20 : vector<256x1xf32>
    %rsqrt3A = math.rsqrt %add3A_21 : vector<256x1xf32>
    %mul3A = vector.broadcast %rsqrt3A : vector<256x1xf32> to vector<256x768xf32>
    %mul3A_22 = arith.mulf %sub3A_19, %mul3A : vector<256x768xf32>
    %mul3A_23 = vector.broadcast %get3A_4 : vector<1x768xf32> to vector<256x768xf32>
    %mul3A_24 = arith.mulf %mul3A_22, %mul3A_23 : vector<256x768xf32>
    %add3A_25 = vector.broadcast %get3A_7 : vector<1x768xf32> to vector<256x768xf32>
    %add3A_26 = arith.addf %mul3A_24, %add3A_25 : vector<256x768xf32>
    %convert_element_type3A = arith.truncf %add3A_26 : vector<256x768xf32> to vector<256x768xbf16>
    %get3A_27 = arith.constant 0 : index
    %get3A_28 = arith.constant 0 : index
    %get3A_29 = vector.load %arg4[%get3A_27, %get3A_28] : memref<768x768xf32, #tpu.memory_space<vmem>>, vector<768x768xf32>
    %convert_element_type3A_30 = arith.truncf %get3A_29 : vector<768x768xf32> to vector<768x768xbf16>
    %dot_general3A = arith.constant dense<0.000000e+00> : vector<256x768xf32>
    %dot_general3A_31 = tpu.matmul %convert_element_type3A, %convert_element_type3A_30, %dot_general3A {dimension_numbers = #tpu.dot_dimension_numbers<[1], [0], [0], [1], [0, 0, 1, 1], [], []>, transpose_lhs_hint = false} : vector<256x768xbf16>, vector<768x768xbf16>, vector<256x768xf32> -> vector<256x768xf32>
    %get3A_32 = arith.constant 0 : index
    %get3A_33 = arith.constant 0 : index
    %get3A_34 = vector.load %arg5[%get3A_32, %get3A_33] : memref<1x768xf32, #tpu.memory_space<vmem>>, vector<1x768xf32>
    %add3A_35 = vector.broadcast %get3A_34 : vector<1x768xf32> to vector<256x768xf32>
    %add3A_36 = arith.addf %dot_general3A_31, %add3A_35 : vector<256x768xf32>
    %mul3A_37 = arith.constant 1.250000e-01 : f32
    %mul3A_38 = vector.broadcast %mul3A_37 : f32 to vector<256x768xf32>
    %mul3A_39 = arith.mulf %add3A_36, %mul3A_38 : vector<256x768xf32>
    %convert_element_type3A_40 = arith.truncf %mul3A_39 : vector<256x768xf32> to vector<256x768xbf16>
    %swap3A = arith.constant 0 : index
    %swap3A_41 = arith.constant 0 : index
    %swap3A_42 = vector.load %arg10[%swap3A, %swap3A_41] : memref<256x768xbf16, #tpu.memory_space<vmem>>, vector<256x768xbf16>
    tpu.vector_store %arg10[%swap3A, %swap3A_41], %convert_element_type3A_40 {strides = array<i32>} : memref<256x768xbf16, #tpu.memory_space<vmem>>, vector<256x768xbf16>,
    %get3A_43 = arith.constant 0 : index
    %get3A_44 = arith.constant 0 : index
    %get3A_45 = vector.load %arg6[%get3A_43, %get3A_44] : memref<768x768xf32, #tpu.memory_space<vmem>>, vector<768x768xf32>
    %convert_element_type3A_46 = arith.truncf %get3A_45 : vector<768x768xf32> to vector<768x768xbf16>
    %dot_general3A_47 = arith.constant dense<0.000000e+00> : vector<256x768xf32>
    %dot_general3A_48 = tpu.matmul %convert_element_type3A, %convert_element_type3A_46, %dot_general3A_47 {dimension_numbers = #tpu.dot_dimension_numbers<[1], [0], [0], [1], [0, 0, 1, 1], [], []>, transpose_lhs_hint = false} : vector<256x768xbf16>, vector<768x768xbf16>, vector<256x768xf32> -> vector<256x768xf32>
    %get3A_49 = arith.constant 0 : index
    %get3A_50 = arith.constant 0 : index
    %get3A_51 = vector.load %arg7[%get3A_49, %get3A_50] : memref<1x768xf32, #tpu.memory_space<vmem>>, vector<1x768xf32>
    %add3A_52 = vector.broadcast %get3A_51 : vector<1x768xf32> to vector<256x768xf32>
    %add3A_53 = arith.addf %dot_general3A_48, %add3A_52 : vector<256x768xf32>
    %convert_element_type3A_54 = arith.truncf %add3A_53 : vector<256x768xf32> to vector<256x768xbf16>
    %swap3A_55 = arith.constant 0 : index
    %swap3A_56 = arith.constant 0 : index
    %swap3A_57 = vector.load %arg11[%swap3A_55, %swap3A_56] : memref<256x768xbf16, #tpu.memory_space<vmem>>, vector<256x768xbf16>
    tpu.vector_store %arg11[%swap3A_55, %swap3A_56], %convert_element_type3A_54 {strides = array<i32>} : memref<256x768xbf16, #tpu.memory_space<vmem>>, vector<256x768xbf16>,
    %get3A_58 = arith.constant 0 : index
    %get3A_59 = arith.constant 0 : index
    %get3A_60 = vector.load %arg8[%get3A_58, %get3A_59] : memref<768x768xf32, #tpu.memory_space<vmem>>, vector<768x768xf32>
    %convert_element_type3A_61 = arith.truncf %get3A_60 : vector<768x768xf32> to vector<768x768xbf16>
    %dot_general3A_62 = arith.constant dense<0.000000e+00> : vector<256x768xf32>
    %dot_general3A_63 = tpu.matmul %convert_element_type3A, %convert_element_type3A_61, %dot_general3A_62 {dimension_numbers = #tpu.dot_dimension_numbers<[1], [0], [0], [1], [0, 0, 1, 1], [], []>, transpose_lhs_hint = false} : vector<256x768xbf16>, vector<768x768xbf16>, vector<256x768xf32> -> vector<256x768xf32>
    %get3A_64 = arith.constant 0 : index
    %get3A_65 = arith.constant 0 : index
    %get3A_66 = vector.load %arg9[%get3A_64, %get3A_65] : memref<1x768xf32, #tpu.memory_space<vmem>>, vector<1x768xf32>
    %add3A_67 = vector.broadcast %get3A_66 : vector<1x768xf32> to vector<256x768xf32>
    %add3A_68 = arith.addf %dot_general3A_63, %add3A_67 : vector<256x768xf32>
    %convert_element_type3A_69 = arith.truncf %add3A_68 : vector<256x768xf32> to vector<256x768xbf16>
    %swap3A_70 = arith.constant 0 : index
    %swap3A_71 = arith.constant 0 : index
    %swap3A_72 = vector.load %arg12[%swap3A_70, %swap3A_71] : memref<256x768xbf16, #tpu.memory_space<vmem>>, vector<256x768xbf16>
    tpu.vector_store %arg12[%swap3A_70, %swap3A_71], %convert_element_type3A_69 {strides = array<i32>} : memref<256x768xbf16, #tpu.memory_space<vmem>>, vector<256x768xbf16>,
    return
  }
  func.func @transform_0(%arg0: i32) -> (i32, i32) {
    %c0_i32 = arith.constant 0 : i32
    %c0_i32_0 = arith.constant 0 : i32
    return %arg0, %c0_i32 : i32, i32
  }
  func.func @transform_1(%arg0: i32) -> (i32, i32) {
    %c0_i32 = arith.constant 0 : i32
    %c0_i32_0 = arith.constant 0 : i32
    %c0_i32_1 = arith.constant 0 : i32
    return %c0_i32, %c0_i32_0 : i32, i32
  }
  func.func @transform_2(%arg0: i32) -> (i32, i32) {
    %c0_i32 = arith.constant 0 : i32
    %c0_i32_0 = arith.constant 0 : i32
    %c0_i32_1 = arith.constant 0 : i32
    return %c0_i32, %c0_i32_0 : i32, i32
  }
  func.func @transform_3(%arg0: i32) -> (i32, i32) {
    %c0_i32 = arith.constant 0 : i32
    %c0_i32_0 = arith.constant 0 : i32
    %c0_i32_1 = arith.constant 0 : i32
    return %c0_i32, %c0_i32_0 : i32, i32
  }
  func.func @transform_4(%arg0: i32) -> (i32, i32) {
    %c0_i32 = arith.constant 0 : i32
    %c0_i32_0 = arith.constant 0 : i32
    %c0_i32_1 = arith.constant 0 : i32
    return %c0_i32, %c0_i32_0 : i32, i32
  }
  func.func @transform_5(%arg0: i32) -> (i32, i32) {
    %c0_i32 = arith.constant 0 : i32
    %c0_i32_0 = arith.constant 0 : i32
    %c0_i32_1 = arith.constant 0 : i32
    return %c0_i32, %c0_i32_0 : i32, i32
  }
  func.func @transform_6(%arg0: i32) -> (i32, i32) {
    %c0_i32 = arith.constant 0 : i32
    %c0_i32_0 = arith.constant 0 : i32
    %c0_i32_1 = arith.constant 0 : i32
    return %c0_i32, %c0_i32_0 : i32, i32
  }
  func.func @transform_7(%arg0: i32) -> (i32, i32) {
    %c0_i32 = arith.constant 0 : i32
    %c0_i32_0 = arith.constant 0 : i32
    %c0_i32_1 = arith.constant 0 : i32
    return %c0_i32, %c0_i32_0 : i32, i32
  }
  func.func @transform_8(%arg0: i32) -> (i32, i32) {
    %c0_i32 = arith.constant 0 : i32
    %c0_i32_0 = arith.constant 0 : i32
    %c0_i32_1 = arith.constant 0 : i32
    return %c0_i32, %c0_i32_0 : i32, i32
  }
  func.func @transform_9(%arg0: i32) -> (i32, i32) {
    %c0_i32 = arith.constant 0 : i32
    %c0_i32_0 = arith.constant 0 : i32
    return %arg0, %c0_i32 : i32, i32
  }
  func.func @transform_10(%arg0: i32) -> (i32, i32) {
    %c0_i32 = arith.constant 0 : i32
    %c0_i32_0 = arith.constant 0 : i32
    return %arg0, %c0_i32 : i32, i32
  }
  func.func @transform_11(%arg0: i32) -> (i32, i32) {
    %c0_i32 = arith.constant 0 : i32
    %c0_i32_0 = arith.constant 0 : i32
    return %arg0, %c0_i32 : i32, i32
  }
}

module attributes {stable_mosaic.version = 14 : i64} {
  func.func @_k3_proj(%arg0: i32, %arg1: memref<256x768xf32, #tpu.memory_space<vmem>>, %arg2: memref<256x768xbf16, #tpu.memory_space<vmem>>, %arg3: memref<768x768xf32, #tpu.memory_space<vmem>>, %arg4: memref<1x768xf32, #tpu.memory_space<vmem>>, %arg5: memref<1x768xf32, #tpu.memory_space<vmem>>, %arg6: memref<1x768xf32, #tpu.memory_space<vmem>>, %arg7: memref<768x128xf32, #tpu.memory_space<vmem>>, %arg8: memref<1x128xf32, #tpu.memory_space<vmem>>, %arg9: memref<256x768xf32, #tpu.memory_space<vmem>>, %arg10: memref<256x768xf32, #tpu.memory_space<vmem>>, %arg11: memref<256x128xf32, #tpu.memory_space<vmem>>) attributes {dimension_semantics = [#tpu.dimension_semantics<parallel>], iteration_bounds = array<i64: 8>, scalar_prefetch = 0 : i64, scratch_operands = 0 : i64, tpu.core_type = #tpu.core_type<tc>, window_params = [{transform_indices = @transform_0, window_bounds = array<i64: 256, 768>}, {transform_indices = @transform_1, window_bounds = array<i64: 256, 768>}, {pipeline_mode = #tpu.pipeline_mode<synchronous>, transform_indices = @transform_2, window_bounds = array<i64: 768, 768>}, {pipeline_mode = #tpu.pipeline_mode<synchronous>, transform_indices = @transform_3, window_bounds = array<i64: 1, 768>}, {pipeline_mode = #tpu.pipeline_mode<synchronous>, transform_indices = @transform_4, window_bounds = array<i64: 1, 768>}, {pipeline_mode = #tpu.pipeline_mode<synchronous>, transform_indices = @transform_5, window_bounds = array<i64: 1, 768>}, {pipeline_mode = #tpu.pipeline_mode<synchronous>, transform_indices = @transform_6, window_bounds = array<i64: 768, 128>}, {pipeline_mode = #tpu.pipeline_mode<synchronous>, transform_indices = @transform_7, window_bounds = array<i64: 1, 128>}, {transform_indices = @transform_8, window_bounds = array<i64: 256, 768>}, {transform_indices = @transform_9, window_bounds = array<i64: 256, 768>}, {transform_indices = @transform_10, window_bounds = array<i64: 256, 128>}]} {
    %get3A = arith.constant 0 : index
    %get3A_0 = arith.constant 0 : index
    %get3A_1 = vector.load %arg2[%get3A, %get3A_0] : memref<256x768xbf16, #tpu.memory_space<vmem>>, vector<256x768xbf16>
    %get3A_2 = arith.constant 0 : index
    %get3A_3 = arith.constant 0 : index
    %get3A_4 = vector.load %arg3[%get3A_2, %get3A_3] : memref<768x768xf32, #tpu.memory_space<vmem>>, vector<768x768xf32>
    %convert_element_type3A = arith.truncf %get3A_4 : vector<768x768xf32> to vector<768x768xbf16>
    %dot_general3A = arith.constant dense<0.000000e+00> : vector<256x768xf32>
    %dot_general3A_5 = tpu.matmul %get3A_1, %convert_element_type3A, %dot_general3A {dimension_numbers = #tpu.dot_dimension_numbers<[1], [0], [0], [1], [0, 0, 1, 1], [], []>, transpose_lhs_hint = false} : vector<256x768xbf16>, vector<768x768xbf16>, vector<256x768xf32> -> vector<256x768xf32>
    %get3A_6 = arith.constant 0 : index
    %get3A_7 = arith.constant 0 : index
    %get3A_8 = vector.load %arg4[%get3A_6, %get3A_7] : memref<1x768xf32, #tpu.memory_space<vmem>>, vector<1x768xf32>
    %add3A = vector.broadcast %get3A_8 : vector<1x768xf32> to vector<256x768xf32>
    %add3A_9 = arith.addf %dot_general3A_5, %add3A : vector<256x768xf32>
    %get3A_10 = arith.constant 0 : index
    %get3A_11 = arith.constant 0 : index
    %get3A_12 = vector.load %arg1[%get3A_10, %get3A_11] : memref<256x768xf32, #tpu.memory_space<vmem>>, vector<256x768xf32>
    %add3A_13 = arith.addf %get3A_12, %add3A_9 : vector<256x768xf32>
    %swap3A = arith.constant 0 : index
    %swap3A_14 = arith.constant 0 : index
    %swap3A_15 = vector.load %arg9[%swap3A, %swap3A_14] : memref<256x768xf32, #tpu.memory_space<vmem>>, vector<256x768xf32>
    tpu.vector_store %arg9[%swap3A, %swap3A_14], %add3A_13 {strides = array<i32>} : memref<256x768xf32, #tpu.memory_space<vmem>>, vector<256x768xf32>,
    %get3A_16 = arith.constant 0 : index
    %get3A_17 = arith.constant 0 : index
    %get3A_18 = vector.load %arg5[%get3A_16, %get3A_17] : memref<1x768xf32, #tpu.memory_space<vmem>>, vector<1x768xf32>
    %get3A_19 = arith.constant 0 : index
    %get3A_20 = arith.constant 0 : index
    %get3A_21 = vector.load %arg6[%get3A_19, %get3A_20] : memref<1x768xf32, #tpu.memory_space<vmem>>, vector<1x768xf32>
    %reduce_sum3A = arith.constant dense<0.000000e+00> : vector<256xf32>
    %reduce_sum3A_22 = vector.multi_reduction <add>, %add3A_13, %reduce_sum3A [1] : vector<256x768xf32> to vector<256xf32>
    %broadcast_in_dim3A = vector.shape_cast %reduce_sum3A_22 : vector<256xf32> to vector<256x1xf32>
    %div3A = arith.constant 7.680000e+02 : f32
    %div3A_23 = vector.broadcast %div3A : f32 to vector<256x1xf32>
    %div3A_24 = arith.divf %broadcast_in_dim3A, %div3A_23 : vector<256x1xf32>
    %sub3A = vector.broadcast %div3A_24 : vector<256x1xf32> to vector<256x768xf32>
    %sub3A_25 = arith.subf %add3A_13, %sub3A : vector<256x768xf32>
    %integer_pow3A = arith.mulf %sub3A_25, %sub3A_25 : vector<256x768xf32>
    %reduce_sum3A_26 = arith.constant dense<0.000000e+00> : vector<256xf32>
    %reduce_sum3A_27 = vector.multi_reduction <add>, %integer_pow3A, %reduce_sum3A_26 [1] : vector<256x768xf32> to vector<256xf32>
    %broadcast_in_dim3A_28 = vector.shape_cast %reduce_sum3A_27 : vector<256xf32> to vector<256x1xf32>
    %div3A_29 = arith.constant 7.680000e+02 : f32
    %div3A_30 = vector.broadcast %div3A_29 : f32 to vector<256x1xf32>
    %div3A_31 = arith.divf %broadcast_in_dim3A_28, %div3A_30 : vector<256x1xf32>
    %sub3A_32 = vector.broadcast %div3A_24 : vector<256x1xf32> to vector<256x768xf32>
    %sub3A_33 = arith.subf %add3A_13, %sub3A_32 : vector<256x768xf32>
    %add3A_34 = arith.constant 9.99999974E-6 : f32
    %add3A_35 = vector.broadcast %add3A_34 : f32 to vector<256x1xf32>
    %add3A_36 = arith.addf %div3A_31, %add3A_35 : vector<256x1xf32>
    %rsqrt3A = math.rsqrt %add3A_36 : vector<256x1xf32>
    %mul3A = vector.broadcast %rsqrt3A : vector<256x1xf32> to vector<256x768xf32>
    %mul3A_37 = arith.mulf %sub3A_33, %mul3A : vector<256x768xf32>
    %mul3A_38 = vector.broadcast %get3A_18 : vector<1x768xf32> to vector<256x768xf32>
    %mul3A_39 = arith.mulf %mul3A_37, %mul3A_38 : vector<256x768xf32>
    %add3A_40 = vector.broadcast %get3A_21 : vector<1x768xf32> to vector<256x768xf32>
    %add3A_41 = arith.addf %mul3A_39, %add3A_40 : vector<256x768xf32>
    %swap3A_42 = arith.constant 0 : index
    %swap3A_43 = arith.constant 0 : index
    %swap3A_44 = vector.load %arg10[%swap3A_42, %swap3A_43] : memref<256x768xf32, #tpu.memory_space<vmem>>, vector<256x768xf32>
    tpu.vector_store %arg10[%swap3A_42, %swap3A_43], %add3A_41 {strides = array<i32>} : memref<256x768xf32, #tpu.memory_space<vmem>>, vector<256x768xf32>,
    %get3A_45 = arith.constant 0 : index
    %get3A_46 = arith.constant 0 : index
    %get3A_47 = vector.load %arg7[%get3A_45, %get3A_46] : memref<768x128xf32, #tpu.memory_space<vmem>>, vector<768x128xf32>
    %dot_general3A_48 = arith.constant dense<0.000000e+00> : vector<256x128xf32>
    %dot_general3A_49 = tpu.matmul %add3A_41, %get3A_47, %dot_general3A_48 {dimension_numbers = #tpu.dot_dimension_numbers<[1], [0], [0], [1], [0, 0, 1, 1], [], []>, transpose_lhs_hint = false} : vector<256x768xf32>, vector<768x128xf32>, vector<256x128xf32> -> vector<256x128xf32>
    %get3A_50 = arith.constant 0 : index
    %get3A_51 = arith.constant 0 : index
    %get3A_52 = vector.load %arg8[%get3A_50, %get3A_51] : memref<1x128xf32, #tpu.memory_space<vmem>>, vector<1x128xf32>
    %add3A_53 = vector.broadcast %get3A_52 : vector<1x128xf32> to vector<256x128xf32>
    %add3A_54 = arith.addf %dot_general3A_49, %add3A_53 : vector<256x128xf32>
    %swap3A_55 = arith.constant 0 : index
    %swap3A_56 = arith.constant 0 : index
    %swap3A_57 = vector.load %arg11[%swap3A_55, %swap3A_56] : memref<256x128xf32, #tpu.memory_space<vmem>>, vector<256x128xf32>
    tpu.vector_store %arg11[%swap3A_55, %swap3A_56], %add3A_54 {strides = array<i32>} : memref<256x128xf32, #tpu.memory_space<vmem>>, vector<256x128xf32>,
    return
  }
  func.func @transform_0(%arg0: i32) -> (i32, i32) {
    %c0_i32 = arith.constant 0 : i32
    %c0_i32_0 = arith.constant 0 : i32
    return %arg0, %c0_i32 : i32, i32
  }
  func.func @transform_1(%arg0: i32) -> (i32, i32) {
    %c0_i32 = arith.constant 0 : i32
    %c0_i32_0 = arith.constant 0 : i32
    return %arg0, %c0_i32 : i32, i32
  }
  func.func @transform_2(%arg0: i32) -> (i32, i32) {
    %c0_i32 = arith.constant 0 : i32
    %c0_i32_0 = arith.constant 0 : i32
    %c0_i32_1 = arith.constant 0 : i32
    return %c0_i32, %c0_i32_0 : i32, i32
  }
  func.func @transform_3(%arg0: i32) -> (i32, i32) {
    %c0_i32 = arith.constant 0 : i32
    %c0_i32_0 = arith.constant 0 : i32
    %c0_i32_1 = arith.constant 0 : i32
    return %c0_i32, %c0_i32_0 : i32, i32
  }
  func.func @transform_4(%arg0: i32) -> (i32, i32) {
    %c0_i32 = arith.constant 0 : i32
    %c0_i32_0 = arith.constant 0 : i32
    %c0_i32_1 = arith.constant 0 : i32
    return %c0_i32, %c0_i32_0 : i32, i32
  }
  func.func @transform_5(%arg0: i32) -> (i32, i32) {
    %c0_i32 = arith.constant 0 : i32
    %c0_i32_0 = arith.constant 0 : i32
    %c0_i32_1 = arith.constant 0 : i32
    return %c0_i32, %c0_i32_0 : i32, i32
  }
  func.func @transform_6(%arg0: i32) -> (i32, i32) {
    %c0_i32 = arith.constant 0 : i32
    %c0_i32_0 = arith.constant 0 : i32
    %c0_i32_1 = arith.constant 0 : i32
    return %c0_i32, %c0_i32_0 : i32, i32
  }
  func.func @transform_7(%arg0: i32) -> (i32, i32) {
    %c0_i32 = arith.constant 0 : i32
    %c0_i32_0 = arith.constant 0 : i32
    %c0_i32_1 = arith.constant 0 : i32
    return %c0_i32, %c0_i32_0 : i32, i32
  }
  func.func @transform_8(%arg0: i32) -> (i32, i32) {
    %c0_i32 = arith.constant 0 : i32
    %c0_i32_0 = arith.constant 0 : i32
    return %arg0, %c0_i32 : i32, i32
  }
  func.func @transform_9(%arg0: i32) -> (i32, i32) {
    %c0_i32 = arith.constant 0 : i32
    %c0_i32_0 = arith.constant 0 : i32
    return %arg0, %c0_i32 : i32, i32
  }
  func.func @transform_10(%arg0: i32) -> (i32, i32) {
    %c0_i32 = arith.constant 0 : i32
    %c0_i32_0 = arith.constant 0 : i32
    return %arg0, %c0_i32 : i32, i32
  }
}

module attributes {stable_mosaic.version = 14 : i64} {
  func.func @_k4_moe(%arg0: i32, %arg1: memref<24xi32, #tpu.memory_space<smem>>, %arg2: memref<256x768xf32, #tpu.memory_space<vmem>>, %arg3: memref<256x1xf32, #tpu.memory_space<vmem>>, %arg4: memref<1x768x1536xf32, #tpu.memory_space<vmem>>, %arg5: memref<1x1x1536xf32, #tpu.memory_space<vmem>>, %arg6: memref<1x1536x768xf32, #tpu.memory_space<vmem>>, %arg7: memref<1x1x768xf32, #tpu.memory_space<vmem>>, %arg8: memref<256x768xbf16, #tpu.memory_space<vmem>>) attributes {dimension_semantics = [#tpu.dimension_semantics<arbitrary>], iteration_bounds = array<i64: 24>, scalar_prefetch = 1 : i64, scratch_operands = 0 : i64, tpu.core_type = #tpu.core_type<tc>, window_params = [{transform_indices = @transform_0, window_bounds = array<i64: 256, 768>}, {transform_indices = @transform_1, window_bounds = array<i64: 256, 1>}, {transform_indices = @transform_2, window_bounds = array<i64: 1, 768, 1536>}, {transform_indices = @transform_3, window_bounds = array<i64: 1, 1, 1536>}, {transform_indices = @transform_4, window_bounds = array<i64: 1, 1536, 768>}, {transform_indices = @transform_5, window_bounds = array<i64: 1, 1, 768>}, {transform_indices = @transform_6, window_bounds = array<i64: 256, 768>}]} {
    %get3A = arith.constant 0 : index
    %get3A_0 = arith.constant 0 : index
    %get3A_1 = vector.load %arg2[%get3A, %get3A_0] : memref<256x768xf32, #tpu.memory_space<vmem>>, vector<256x768xf32>
    %get3A_2 = arith.constant 0 : index
    %get3A_3 = arith.constant 0 : index
    %get3A_4 = arith.constant 0 : index
    %get3A_5 = vector.load %arg4[%get3A_2, %get3A_3, %get3A_4] : memref<1x768x1536xf32, #tpu.memory_space<vmem>>, vector<1x768x1536xf32>
    %get3A_6 = vector.shape_cast %get3A_5 : vector<1x768x1536xf32> to vector<768x1536xf32>
    %convert_element_type3A = arith.truncf %get3A_1 : vector<256x768xf32> to vector<256x768xbf16>
    %convert_element_type3A_7 = arith.truncf %get3A_6 : vector<768x1536xf32> to vector<768x1536xbf16>
    %dot_general3A = arith.constant dense<0.000000e+00> : vector<256x1536xf32>
    %dot_general3A_8 = tpu.matmul %convert_element_type3A, %convert_element_type3A_7, %dot_general3A {dimension_numbers = #tpu.dot_dimension_numbers<[1], [0], [0], [1], [0, 0, 1, 1], [], []>, transpose_lhs_hint = false} : vector<256x768xbf16>, vector<768x1536xbf16>, vector<256x1536xf32> -> vector<256x1536xf32>
    %get3A_9 = arith.constant 0 : index
    %get3A_10 = arith.constant 0 : index
    %get3A_11 = arith.constant 0 : index
    %get3A_12 = vector.load %arg5[%get3A_9, %get3A_10, %get3A_11] : memref<1x1x1536xf32, #tpu.memory_space<vmem>>, vector<1x1x1536xf32>
    %get3A_13 = vector.shape_cast %get3A_12 : vector<1x1x1536xf32> to vector<1x1536xf32>
    %add3A = vector.broadcast %get3A_13 : vector<1x1536xf32> to vector<256x1536xf32>
    %add3A_14 = arith.addf %dot_general3A_8, %add3A : vector<256x1536xf32>
    %max3A = arith.constant 0.000000e+00 : f32
    %max3A_15 = vector.broadcast %max3A : f32 to vector<256x1536xf32>
    %max3A_16 = arith.maximumf %add3A_14, %max3A_15 : vector<256x1536xf32>
    %convert_element_type3A_17 = arith.truncf %max3A_16 : vector<256x1536xf32> to vector<256x1536xbf16>
    %get3A_18 = arith.constant 0 : index
    %get3A_19 = arith.constant 0 : index
    %get3A_20 = arith.constant 0 : index
    %get3A_21 = vector.load %arg6[%get3A_18, %get3A_19, %get3A_20] : memref<1x1536x768xf32, #tpu.memory_space<vmem>>, vector<1x1536x768xf32>
    %get3A_22 = vector.shape_cast %get3A_21 : vector<1x1536x768xf32> to vector<1536x768xf32>
    %convert_element_type3A_23 = arith.truncf %get3A_22 : vector<1536x768xf32> to vector<1536x768xbf16>
    %dot_general3A_24 = arith.constant dense<0.000000e+00> : vector<256x768xf32>
    %dot_general3A_25 = tpu.matmul %convert_element_type3A_17, %convert_element_type3A_23, %dot_general3A_24 {dimension_numbers = #tpu.dot_dimension_numbers<[1], [0], [0], [1], [0, 0, 1, 1], [], []>, transpose_lhs_hint = false} : vector<256x1536xbf16>, vector<1536x768xbf16>, vector<256x768xf32> -> vector<256x768xf32>
    %get3A_26 = arith.constant 0 : index
    %get3A_27 = arith.constant 0 : index
    %get3A_28 = arith.constant 0 : index
    %get3A_29 = vector.load %arg7[%get3A_26, %get3A_27, %get3A_28] : memref<1x1x768xf32, #tpu.memory_space<vmem>>, vector<1x1x768xf32>
    %get3A_30 = vector.shape_cast %get3A_29 : vector<1x1x768xf32> to vector<1x768xf32>
    %add3A_31 = vector.broadcast %get3A_30 : vector<1x768xf32> to vector<256x768xf32>
    %add3A_32 = arith.addf %dot_general3A_25, %add3A_31 : vector<256x768xf32>
    %get3A_33 = arith.constant 0 : index
    %get3A_34 = arith.constant 0 : index
    %get3A_35 = vector.load %arg3[%get3A_33, %get3A_34] : memref<256x1xf32, #tpu.memory_space<vmem>>, vector<256x1xf32>
    %mul3A = vector.broadcast %get3A_35 : vector<256x1xf32> to vector<256x768xf32>
    %mul3A_36 = arith.mulf %add3A_32, %mul3A : vector<256x768xf32>
    %convert_element_type3A_37 = arith.truncf %mul3A_36 : vector<256x768xf32> to vector<256x768xbf16>
    %swap3A = arith.constant 0 : index
    %swap3A_38 = arith.constant 0 : index
    %swap3A_39 = vector.load %arg8[%swap3A, %swap3A_38] : memref<256x768xbf16, #tpu.memory_space<vmem>>, vector<256x768xbf16>
    tpu.vector_store %arg8[%swap3A, %swap3A_38], %convert_element_type3A_37 {strides = array<i32>} : memref<256x768xbf16, #tpu.memory_space<vmem>>, vector<256x768xbf16>,
    return
  }
  func.func @transform_0(%arg0: i32, %arg1: memref<24xi32, #tpu.memory_space<smem>>) -> (i32, i32) {
    %c0_i32 = arith.constant 0 : i32
    %c0_i32_0 = arith.constant 0 : i32
    return %arg0, %c0_i32 : i32, i32
  }
  func.func @transform_1(%arg0: i32, %arg1: memref<24xi32, #tpu.memory_space<smem>>) -> (i32, i32) {
    %c0_i32 = arith.constant 0 : i32
    %c0_i32_0 = arith.constant 0 : i32
    return %arg0, %c0_i32 : i32, i32
  }
  func.func @transform_2(%arg0: i32, %arg1: memref<24xi32, #tpu.memory_space<smem>>) -> (i32, i32, i32) {
    %get3A = arith.index_cast %arg0 : i32 to index
    %get3A_0 = memref.load %arg1[%get3A] : memref<24xi32, #tpu.memory_space<smem>>
    %c0_i32 = arith.constant 0 : i32
    %c0_i32_1 = arith.constant 0 : i32
    %c0_i32_2 = arith.constant 0 : i32
    return %get3A_0, %c0_i32, %c0_i32_1 : i32, i32, i32
  }
  func.func @transform_3(%arg0: i32, %arg1: memref<24xi32, #tpu.memory_space<smem>>) -> (i32, i32, i32) {
    %get3A = arith.index_cast %arg0 : i32 to index
    %get3A_0 = memref.load %arg1[%get3A] : memref<24xi32, #tpu.memory_space<smem>>
    %c0_i32 = arith.constant 0 : i32
    %c0_i32_1 = arith.constant 0 : i32
    %c0_i32_2 = arith.constant 0 : i32
    return %get3A_0, %c0_i32, %c0_i32_1 : i32, i32, i32
  }
  func.func @transform_4(%arg0: i32, %arg1: memref<24xi32, #tpu.memory_space<smem>>) -> (i32, i32, i32) {
    %get3A = arith.index_cast %arg0 : i32 to index
    %get3A_0 = memref.load %arg1[%get3A] : memref<24xi32, #tpu.memory_space<smem>>
    %c0_i32 = arith.constant 0 : i32
    %c0_i32_1 = arith.constant 0 : i32
    %c0_i32_2 = arith.constant 0 : i32
    return %get3A_0, %c0_i32, %c0_i32_1 : i32, i32, i32
  }
  func.func @transform_5(%arg0: i32, %arg1: memref<24xi32, #tpu.memory_space<smem>>) -> (i32, i32, i32) {
    %get3A = arith.index_cast %arg0 : i32 to index
    %get3A_0 = memref.load %arg1[%get3A] : memref<24xi32, #tpu.memory_space<smem>>
    %c0_i32 = arith.constant 0 : i32
    %c0_i32_1 = arith.constant 0 : i32
    %c0_i32_2 = arith.constant 0 : i32
    return %get3A_0, %c0_i32, %c0_i32_1 : i32, i32, i32
  }
  func.func @transform_6(%arg0: i32, %arg1: memref<24xi32, #tpu.memory_space<smem>>) -> (i32, i32) {
    %c0_i32 = arith.constant 0 : i32
    %c0_i32_0 = arith.constant 0 : i32
    return %arg0, %c0_i32 : i32, i32
  }
}

module attributes {stable_mosaic.version = 14 : i64} {
  func.func @_k5_final(%arg0: i32, %arg1: memref<256x768xf32, #tpu.memory_space<vmem>>, %arg2: memref<256x768xf32, #tpu.memory_space<vmem>>, %arg3: memref<256x768xbf16, #tpu.memory_space<vmem>>, %arg4: memref<1x768xf32, #tpu.memory_space<vmem>>, %arg5: memref<1x768xf32, #tpu.memory_space<vmem>>, %arg6: memref<256x768xf32, #tpu.memory_space<vmem>>) attributes {dimension_semantics = [#tpu.dimension_semantics<parallel>], iteration_bounds = array<i64: 8>, scalar_prefetch = 0 : i64, scratch_operands = 0 : i64, tpu.core_type = #tpu.core_type<tc>, window_params = [{transform_indices = @transform_0, window_bounds = array<i64: 256, 768>}, {transform_indices = @transform_1, window_bounds = array<i64: 256, 768>}, {transform_indices = @transform_2, window_bounds = array<i64: 256, 768>}, {pipeline_mode = #tpu.pipeline_mode<synchronous>, transform_indices = @transform_3, window_bounds = array<i64: 1, 768>}, {pipeline_mode = #tpu.pipeline_mode<synchronous>, transform_indices = @transform_4, window_bounds = array<i64: 1, 768>}, {transform_indices = @transform_5, window_bounds = array<i64: 256, 768>}]} {
    %get3A = arith.constant 0 : index
    %get3A_0 = arith.constant 0 : index
    %get3A_1 = vector.load %arg2[%get3A, %get3A_0] : memref<256x768xf32, #tpu.memory_space<vmem>>, vector<256x768xf32>
    %get3A_2 = arith.constant 0 : index
    %get3A_3 = arith.constant 0 : index
    %get3A_4 = vector.load %arg3[%get3A_2, %get3A_3] : memref<256x768xbf16, #tpu.memory_space<vmem>>, vector<256x768xbf16>
    %convert_element_type3A = arith.extf %get3A_4 : vector<256x768xbf16> to vector<256x768xf32>
    %add3A = arith.addf %get3A_1, %convert_element_type3A : vector<256x768xf32>
    %get3A_5 = arith.constant 0 : index
    %get3A_6 = arith.constant 0 : index
    %get3A_7 = vector.load %arg4[%get3A_5, %get3A_6] : memref<1x768xf32, #tpu.memory_space<vmem>>, vector<1x768xf32>
    %get3A_8 = arith.constant 0 : index
    %get3A_9 = arith.constant 0 : index
    %get3A_10 = vector.load %arg5[%get3A_8, %get3A_9] : memref<1x768xf32, #tpu.memory_space<vmem>>, vector<1x768xf32>
    %reduce_sum3A = arith.constant dense<0.000000e+00> : vector<256xf32>
    %reduce_sum3A_11 = vector.multi_reduction <add>, %add3A, %reduce_sum3A [1] : vector<256x768xf32> to vector<256xf32>
    %broadcast_in_dim3A = vector.shape_cast %reduce_sum3A_11 : vector<256xf32> to vector<256x1xf32>
    %div3A = arith.constant 7.680000e+02 : f32
    %div3A_12 = vector.broadcast %div3A : f32 to vector<256x1xf32>
    %div3A_13 = arith.divf %broadcast_in_dim3A, %div3A_12 : vector<256x1xf32>
    %sub3A = vector.broadcast %div3A_13 : vector<256x1xf32> to vector<256x768xf32>
    %sub3A_14 = arith.subf %add3A, %sub3A : vector<256x768xf32>
    %integer_pow3A = arith.mulf %sub3A_14, %sub3A_14 : vector<256x768xf32>
    %reduce_sum3A_15 = arith.constant dense<0.000000e+00> : vector<256xf32>
    %reduce_sum3A_16 = vector.multi_reduction <add>, %integer_pow3A, %reduce_sum3A_15 [1] : vector<256x768xf32> to vector<256xf32>
    %broadcast_in_dim3A_17 = vector.shape_cast %reduce_sum3A_16 : vector<256xf32> to vector<256x1xf32>
    %div3A_18 = arith.constant 7.680000e+02 : f32
    %div3A_19 = vector.broadcast %div3A_18 : f32 to vector<256x1xf32>
    %div3A_20 = arith.divf %broadcast_in_dim3A_17, %div3A_19 : vector<256x1xf32>
    %sub3A_21 = vector.broadcast %div3A_13 : vector<256x1xf32> to vector<256x768xf32>
    %sub3A_22 = arith.subf %add3A, %sub3A_21 : vector<256x768xf32>
    %add3A_23 = arith.constant 9.99999974E-6 : f32
    %add3A_24 = vector.broadcast %add3A_23 : f32 to vector<256x1xf32>
    %add3A_25 = arith.addf %div3A_20, %add3A_24 : vector<256x1xf32>
    %rsqrt3A = math.rsqrt %add3A_25 : vector<256x1xf32>
    %mul3A = vector.broadcast %rsqrt3A : vector<256x1xf32> to vector<256x768xf32>
    %mul3A_26 = arith.mulf %sub3A_22, %mul3A : vector<256x768xf32>
    %mul3A_27 = vector.broadcast %get3A_7 : vector<1x768xf32> to vector<256x768xf32>
    %mul3A_28 = arith.mulf %mul3A_26, %mul3A_27 : vector<256x768xf32>
    %add3A_29 = vector.broadcast %get3A_10 : vector<1x768xf32> to vector<256x768xf32>
    %add3A_30 = arith.addf %mul3A_28, %add3A_29 : vector<256x768xf32>
    %get3A_31 = arith.constant 0 : index
    %get3A_32 = arith.constant 0 : index
    %get3A_33 = vector.load %arg1[%get3A_31, %get3A_32] : memref<256x768xf32, #tpu.memory_space<vmem>>, vector<256x768xf32>
    %add3A_34 = arith.addf %get3A_33, %add3A_30 : vector<256x768xf32>
    %swap3A = arith.constant 0 : index
    %swap3A_35 = arith.constant 0 : index
    %swap3A_36 = vector.load %arg6[%swap3A, %swap3A_35] : memref<256x768xf32, #tpu.memory_space<vmem>>, vector<256x768xf32>
    tpu.vector_store %arg6[%swap3A, %swap3A_35], %add3A_34 {strides = array<i32>} : memref<256x768xf32, #tpu.memory_space<vmem>>, vector<256x768xf32>,
    return
  }
  func.func @transform_0(%arg0: i32) -> (i32, i32) {
    %c0_i32 = arith.constant 0 : i32
    %c0_i32_0 = arith.constant 0 : i32
    return %arg0, %c0_i32 : i32, i32
  }
  func.func @transform_1(%arg0: i32) -> (i32, i32) {
    %c0_i32 = arith.constant 0 : i32
    %c0_i32_0 = arith.constant 0 : i32
    return %arg0, %c0_i32 : i32, i32
  }
  func.func @transform_2(%arg0: i32) -> (i32, i32) {
    %c0_i32 = arith.constant 0 : i32
    %c0_i32_0 = arith.constant 0 : i32
    return %arg0, %c0_i32 : i32, i32
  }
  func.func @transform_3(%arg0: i32) -> (i32, i32) {
    %c0_i32 = arith.constant 0 : i32
    %c0_i32_0 = arith.constant 0 : i32
    %c0_i32_1 = arith.constant 0 : i32
    return %c0_i32, %c0_i32_0 : i32, i32
  }
  func.func @transform_4(%arg0: i32) -> (i32, i32) {
    %c0_i32 = arith.constant 0 : i32
    %c0_i32_0 = arith.constant 0 : i32
    %c0_i32_1 = arith.constant 0 : i32
    return %c0_i32, %c0_i32_0 : i32, i32
  }
  func.func @transform_5(%arg0: i32) -> (i32, i32) {
    %c0_i32 = arith.constant 0 : i32
    %c0_i32_0 = arith.constant 0 : i32
    return %arg0, %c0_i32 : i32, i32
  }
}

</mosaic_0001>

<sc_bundles>
// kernel: kernel.8.cloned.1.call-start
scs
__scs_entry_jumppad:
0x0: {  	(pc) =	sbr.rel $0x88, $3  }
0x1: {  	(tag) =	ssettag $0x0;
	lr =	simm.s32 $0x1  }
0x2: {  	[smem:$0x3F8C] =	sst lr;
	_ =	strace $0xD0000000  }
0x3: {  	_ = 	snop  }
0x4: {  	_ = 	snop  }
0x5: {  	_ = 	snop  }
0x6: {  	_ = 	snop  }
0x7: {  	_ = 	snop  }
__scs_overlays_trampoline_lowered:
0x8: {  	[smem:$0x3F9B] =	sst s0  }
0x9: {  	[smem:$0x3F9C] =	sst s1  }
0xa: {  	[smem:$0x3F9D] =	sst s2  }
0xb: {  	[smem:$0x3F9E] =	sst s3  }
0xc: {  	[smem:$0x3F9F] =	sst s4  }
0xd: {  	[smem:$0x3FA0] =	sst s5  }
0xe: {  	[smem:$0x3FA1] =	sst s6  }
0xf: {  	[smem:$0x3FA2] =	sst s7  }
0x10: {  	[smem:$0x3FA3] =	sst s8  }
0x11: {  	[smem:$0x3FA4] =	sst s9;
	s0 =	simm.s32 @!p0 $0x0  }
0x12: {  	s1 =	sld [smem:$0x3F8A];
	s0 =	simm.s32 @p0 $0x1  }
0x13: {  	[smem:$0x3FA5] =	sst s0;
	s0 =	simm.s32 @!p1 $0x0  }
0x14: {  	s2 =	sld [smem:$0x3F89];
	s0 =	simm.s32 @p1 $0x1  }
0x15: {  	[smem:$0x3FA6] =	sst s0;
	s0 =	simm.s32 @!p2 $0x0  }
0x16: {  	s3 =	sld [smem:$0x3FDB];
	s0 =	simm.s32 @p2 $0x1  }
0x17: {  	s4 =	simm.s32 $0x1BF5;
	[smem:$0x3FA8] =	sst s0  }
0x18: {  	s0 =	sld [smem:$0x3F8B];
	_ =	swait.ge [sflag:s4], $0x0  }
0x19: {  	s7 =	sld [smem:$0x3F8C]  }
0x1a: {  	s8 =	sadd.s32 $0xFFFFE003, lr  }
0x1b: {  	s9 =	sadd.s32 $0xFFFFFEF7, lr;
	s5 =	simm.s32 $0xFFFFFFFF;
	p2 =	slt.u32 s8, $0xFFFFF086  }
0x1c: {  	p1 =	slt.u32 s9, $0xF7A;
	s5 =	simm.s32 @!p2 $0x0  }
0x1d: {  	s5 =	simm.s32 @p1 $0x1;
	p0 =	seq.s32 s7, s2  }
0x1e: {  	s7 =	smul.u32 @!p0 $0xF7A, s2;
	p2 =	seq.s32 @!p0 s5, $0x0  }
0x1f: {  	s9 =	smul.u32 $0xF7A, s1;
	s8 =	simm.s32 @!p0 $0x1BF5;
	p2 =	por !p2, p0  }
0x20: {  	[sflag:s8] =	ssyncset.s32 @!p0 $0xFFFFF086;
	s6 =	sadd.s32 @!p0 s3, s7;
	s7 =	simm.s32 @!p0 $0x108  }
0x21: {  	s3 =	sadd.s32 s3, s9;
	s6 =	sadd.s32 @!p0 $0x88, s6;
	s7 =	simm.s32 @p2 $0x1082  }
0x22: {  	[simem:s7], [sflag:s8] =	dma.local @!p0 [hbm:s6], $0xF7A  }
0x23: {  	s9 =	sor.u32 $0xD0000000, s2;
	s6 =	simm.s32 $0x108;
	_ =	swait.ge @!p0 [sflag:s8], $0x0  }
0x24: {  	s3 =	sadd.s32 $0x88, s3;
	s6 =	simm.s32 @!p1 $0x1082;
	[sflag:s4] =	ssyncset.s32 $0xFFFFF086  }
0x25: {  	[simem:s6], [sflag:s4] =	dma.local [hbm:s3], $0xF7A  }
0x26: {  	[smem:$0x3F8C] =	sst s1;
	(tag) =	ssettag s2;
	_ =	strace s9  }
0x27: {  	s1 =	sld [smem:$0x3F9C]  }
0x28: {  	s2 =	sld [smem:$0x3F9D]  }
0x29: {  	s4 =	sld [smem:$0x3F9F]  }
0x2a: {  	p0 =	seq.s32 s5, $0x0;
	s5 =	sld [smem:$0x3FA0]  }
0x2b: {  	s6 =	sld [smem:$0x3FA1]  }
0x2c: {  	s7 =	sld [smem:$0x3FA2]  }
0x2d: {  	s3 =	simm.s32 $0x108;
	s8 =	sld [smem:$0x3FA3]  }
0x2e: {  	s3 =	simm.s32 @!p0 $0x1082;
	s9 =	sld [smem:$0x3FA4]  }
0x2f: {  	lr =	sadd.s32 s0, s3;
	s0 =	sld [smem:$0x3F9B]  }
0x30: {  	s3 =	sld [smem:$0x3F9E]  }
0x31: {  	[smem:$0x3FA7] =	sst s10  }
0x32: {  	s10 =	sld [smem:$0x3FA5];
	_ =	sdelay $0x3  }
0x33: {  	p0 =	seq.s32 s10, $0x1;
	s10 =	sld [smem:$0x3FA7];
	_ =	sdelay $0x3  }
0x34: {  	[smem:$0x3FA7] =	sst s10  }
0x35: {  	s10 =	sld [smem:$0x3FA6];
	_ =	sdelay $0x3  }
0x36: {  	p1 =	seq.s32 s10, $0x1;
	s10 =	sld [smem:$0x3FA7];
	_ =	sdelay $0x3  }
0x37: {  	[smem:$0x3FA7] =	sst s10  }
0x38: {  	s10 =	sld [smem:$0x3FA8]  }
0x39: {  	_ = 	snop;
	(pc) =	sbr.ind lr, $3  }
0x3a: {  	_ = 	snop  }
0x3b: {  	_ = 	snop  }
0x3c: {  	p2 =	seq.s32 s10, $0x1;
	s10 =	sld [smem:$0x3FA7]  }
0x3d: {  	_ =	shalt  }
0x3e: {  	_ =	shalt  }
0x3f: {  	_ =	shalt  }
0x40: {  	_ =	shalt  }
0x41: {  	_ =	shalt  }
0x42: {  	_ =	shalt  }
0x43: {  	_ =	shalt  }
0x44: {  	_ =	shalt  }
0x45: {  	_ =	shalt  }
0x46: {  	_ =	shalt  }
0x47: {  	_ =	shalt  }
0x48: {  	_ =	shalt  }
0x49: {  	_ =	shalt  }
0x4a: {  	_ =	shalt  }
0x4b: {  	_ =	shalt  }
0x4c: {  	_ =	shalt  }
0x4d: {  	_ =	shalt  }
0x4e: {  	_ =	shalt  }
0x4f: {  	_ =	shalt  }
0x50: {  	_ =	shalt  }
0x51: {  	_ =	shalt  }
0x52: {  	_ =	shalt  }
0x53: {  	_ =	shalt  }
0x54: {  	_ =	shalt  }
0x55: {  	_ =	shalt  }
0x56: {  	_ =	shalt  }
0x57: {  	_ =	shalt  }
0x58: {  	_ =	shalt  }
0x59: {  	_ =	shalt  }
0x5a: {  	_ =	shalt  }
0x5b: {  	_ =	shalt  }
0x5c: {  	_ =	shalt  }
0x5d: {  	_ =	shalt  }
0x5e: {  	_ =	shalt  }
0x5f: {  	_ =	shalt  }
0x60: {  	_ =	shalt  }
0x61: {  	_ =	shalt  }
0x62: {  	_ =	shalt  }
0x63: {  	_ =	shalt  }
0x64: {  	_ =	shalt  }
0x65: {  	_ =	shalt  }
0x66: {  	_ =	shalt  }
0x67: {  	_ =	shalt  }
0x68: {  	_ =	shalt  }
0x69: {  	_ =	shalt  }
0x6a: {  	_ =	shalt  }
0x6b: {  	_ =	shalt  }
0x6c: {  	_ =	shalt  }
0x6d: {  	_ =	shalt  }
0x6e: {  	_ =	shalt  }
0x6f: {  	_ =	shalt  }
0x70: {  	_ =	shalt  }
0x71: {  	_ =	shalt  }
0x72: {  	_ =	shalt  }
0x73: {  	_ =	shalt  }
0x74: {  	_ =	shalt  }
0x75: {  	_ =	shalt  }
0x76: {  	_ =	shalt  }
0x77: {  	_ =	shalt  }
0x78: {  	_ =	shalt  }
0x79: {  	_ =	shalt  }
0x7a: {  	_ =	shalt  }
0x7b: {  	_ =	shalt  }
0x7c: {  	_ =	shalt  }
0x7d: {  	_ =	shalt  }
0x7e: {  	_ =	shalt  }
0x7f: {  	_ =	shalt  }
0x80: {  	_ =	shalt  }
0x81: {  	_ =	shalt  }
0x82: {  	_ =	shalt  }
0x83: {  	_ =	shalt  }
0x84: {  	_ =	shalt  }
0x85: {  	_ =	shalt  }
0x86: {  	_ =	shalt  }
0x87: {  	_ =	shalt  }
.Lfunc_end0:
.L_simem_size_0:
called_computation_lowered:
.L_overlay_start_0:
0x88: {  	s2 =	sld [smem:$0x3FD9]  }
0x89: {  	s3 =	sld [smem:$0x3FFE];
	_ =	sdelay $0x1  }
0x8a: {  	s1 =	srdreg.scid  }
0x8b: {  	s0 =	sand.u32 $0x1, s1  }
0x8c: {  	s17 =	sshll.u32 s0, $0xA;
	s2 =	sadd.s32 s3, s2  }
0x8d: {  	s2 =	sadd.s32 s2, s17  }
0x8e: {  	[smem:$0x3FB3] =	sst s2  }
0x8f: {  	_ = 	snop  }
0x90: {  	s2 =	sld [smem:$0x3FD0];
	(tm) =	ssettm $0x1  }
0x91: {  	s18 =	sld [smem:$0x3FFB];
	_ =	sdelay $0x3  }
0x92: {  	_ =	strace s18  }
0x93: {  	s3 =	sld [smem:$0x3FFC];
	_ =	sdelay $0x3  }
0x94: {  	_ =	strace s3  }
0x95: {  	s3 =	sld [smem:$0x3FFD];
	_ =	sdelay $0x3  }
0x96: {  	_ =	strace s3  }
0x97: {  	_ =	strace $0x8FFFFFFF  }
0x98: {  	s19 =	sld [smem:$0x3FDB];
	_ =	sdelay $0x1  }
0x99: {  	s4 =	simm.s32 $_scs_section_size  }
0x9a: {  	s5 =	simm.s32 $_size__tile_overlayer_lowered;
	s6 =	simm.s32 $_tile_overlayer_lowered  }
0x9b: {  	s22 =	simm.s32 $0x1BFF;
	s21 =	sshll.u32 s6, $0x1;
	s3 =	sadd.s32 s4, s19  }
0x9c: {  	s7 =	simm.s32 $0x0;
	s20 =	sshll.u32 s5, $0x1;
	s5 =	sadd.s32 s21, s3  }
0x9d: {  	[timem:s7], [sflag:s22] =	dma.local [hbm:s5], s20  }
0x9e: {  	_ =	swait.ge [sflag:s22], s20  }
0x9f: {  	s4 =	ssub.s32 $0x0, s20;
	[sflag:s22] =	ssyncset.done $0x0  }
0xa0: {  	[sflag:s22] =	ssyncadd.s32 s4;
	_ =	sdelay $0x1  }
0xa1: {  	s23 =	simm.s32 $0x1B8B  }
0xa2: {  	_ =	swait.ge [sflag:s23], $0x1  }
0xa3: {  	[sflag:s23] =	ssyncset.done $0x0  }
0xa4: {  	s25 =	simm.s32 $0x1B8E;
	s24 =	sld [smem:$0x3FFE];
	[sflag:s23] =	ssyncadd.s32 $0xFFFFFFFF  }
0xa5: {  	s26 =	simm.s32 $execute0_lowered;
	[smem:$0x3FD2] =	sst s25  }
0xa6: {  	s5 =	sshll.u32 s26, $0x1;
	_ =	strace $0x80000046;
	[dreg:$0x1] =	wrdreg $0xFFFFFFFF  }
0xa7: {  	s28 =	simm.s32 $_size_execute0_lowered;
	s3 =	sadd.s32 s3, s5;
	[dreg:$0x0] =	wrdreg $0x0  }
0xa8: {  	s5 =	sshll.u32 s28, $0x1;
	[dreg:$0x2] =	wrdreg s3  }
0xa9: {  	[dreg:$0x3] =	wrdreg s5  }
0xaa: {  	[dreg:$0x4] =	wrdreg $0xC0  }
0xab: {  	_ =	task [dreg:s7], $0x5FFFF  }
0xac: {  	[dreg:$0x1] =	wrdreg $0xFFFFFFFF  }
0xad: {  	[dreg:$0x0] =	wrdreg $0x60  }
0xae: {  	[dreg:$0x2] =	wrdreg s2  }
0xaf: {  	[dreg:$0x3] =	wrdreg s24  }
0xb0: {  	[dreg:$0x4] =	wrdreg $0x9  }
0xb1: {  	_ =	task.clear_ibuf [dreg:s7], $0x5FFFF;
	_ =	strace $0x90000046  }
0xb2: {  	s29 =	simm.s32 $0x9;
	_ =	strace $0x80000048  }
0xb3: {  	_ =	swait.ge [sflag:s29], $0x1  }
0xb4: {  	[sflag:s29] =	ssyncadd.s32 $0xFFFFFFFF  }
0xb5: {  	_ =	strace $0x90000048  }
0xb6: {  	_ =	sfence  }
0xb7: {  	s30 =	sld [smem:$0x0];
	_ =	sdelay $0x2  }
0xb8: {  	s31 =	sshll.u32 s1, $0xD;
	s1 =	sshrl.u32 s1, $0x2  }
0xb9: {  	s3 =	sand.u32 $0x4000, s31;
	s1 =	sadd.s32 s1, s30  }
0xba: {  	s0 =	sor.u32 s3, s0;
	s1 =	sshll.u32 s1, $0x11  }
0xbb: {  	s0 =	sor.u32 s1, s0  }
0xbc: {  	s0 =	sadd.s32 $0x8F2B, s0  }
0xbd: {  	[sflag:s0] =	ssyncadd.remote.s32 $0x1  }
0xbe: {  	_ =	sfence.sel $0xFFFF  }
0xbf: {  	[dreg:$0x0] =	wrdreg $0xFFFFFFFF;
	(pc) =	sbr.abs _section_cstart, $3  }
0xc0: {  	[dreg:$0x1] =	wrdreg $0xFFFFFFFF  }
0xc1: {  	_ =	task.clear_ibuf [dreg:s7], $0x2FFFF;
	_ =	strace $0x9FFFFFFF  }
0xc2: {  	(tm) =	ssettm $0x7FFFFFFF  }
0xc3: {  	_ =	shalt  }
tec
execute0_lowered:
.L_overlay_start_1:
0x0: {  	(tag) =	ssettag $0x1  }
0x1: {  	s0 =	srdreg.scid;
	s2 =	rddreg [dreg:$0x0]  }
0x2: {  	s1 =	stileid.u32;
	s4 =	rddreg [dreg:$0x1]  }
0x3: {  	s3 =	simm.s32 $0x0;
	s8 =	simm.s32 $0x2;
	s21 =	simm.s32 $0x1  }
0x4: {  	s28 =	simm.s32 $0x2880;
	s29 =	simm.s32 $0x3080;
	s30 =	simm.s32 $0x3880  }
0x5: {  	s31 =	simm.s32 $0x4080;
	s10 =	simm.s32 $0x6080;
	s11 =	simm.s32 $0x6880  }
0x6: {  	s12 =	simm.s32 $0x7080;
	s13 =	simm.s32 $0x7880;
	s14 =	simm.s32 $0x8080  }
0x7: {  	s15 =	simm.s32 $0x8880;
	s16 =	simm.s32 $0x9080;
	s17 =	simm.s32 $0x9880  }
0x8: {  	s18 =	simm.s32 $0xA080;
	s0 =	sand.u32 $0x1, s0;
	s1 =	sshll.u32 s1, $0x1  }
0x9: {  	s19 =	simm.s32 $0xA880;
	s20 =	simm.s32 $0xB080;
	s1 =	sor.u32 s0, s1  }
0xa: {  	[smem:$0x7FF] =	sst s3;
	s0 =	ssub.s32 $0x2, s0;
	s1 =	smul.u32 $0xC0, s1  }
0xb: {  	s9 =	simm.s32 $0xB880;
	_ =	strace $0x80000047;
	s24 =	sshrl.u32 s0, $0x1  }
0xc: {  	s0 =	ssub.s32 s0, s24;
	s24 =	simm.s32 $0x1080;
	s1 =	sshrl.u32 s1, $0x3  }
0xd: {  	s7 =	smax.u32 s0, $0x1;
	s5 =	smul.u32 $0x300, s1;
	s6 =	sadd.s32 s4, s1  }
0xe: {  	s1 =	simm.s32 $0x4880;
	[dreg:$0x6] =	wrdreg s6;
	s25 =	sadd.s32 $0xC, s6  }
0xf: {  	s6 =	sadd.s32 $0x200, s2;
	s5 =	sadd.s32 s5, s4;
	[dreg:$0x4] =	wrdreg s25  }
0x10: {  	v2 =	vlaneseq.u32;
	s25 =	simm.s32 $0x1880;
	s4 =	simm.s32 $0x5880;
	s23 =	sadd.s32 $0x400, s5  }
0x11: {  	vm0 =	vmmov $0xffff;
	v1 =	vshrl.u32 v2, $0x3;
	s26 =	sadd.s32 $0x2800, s5;
	s5 =	sadd.s32 $0x100, s2;
	[dreg:$0x3] =	wrdreg s23  }
0x12: {  	v0 =	vand.u32 $0x7, v2;
	v2 =	vor.u32 $0x8, v2;
	v1 =	vmul.u32 $0x8, v1;
	[dreg:$0x5] =	wrdreg s26;
	s23 =	simm.s32 $0x880;
	s26 =	simm.s32 $0x2080  }
.LBB2_1:
0x13: {  	s22 =	rddreg [dreg:$0x6]  }
0x14: {  	[tilespmem:s3], [sflag:$0x2] =	stream.linear.gather [hbm4b:s22+s3], $0x60, $0x38;
	[tilespmem:$0x12080] =	vst v63  }
0x15: {  	_ =	swait.ge [sflag:s8], $0x60  }
0x16: {  	[sflag:s8] =	ssyncset.done $0x0  }
0x17: {  	[sflag:s8] =	ssyncadd.s32 $0xFFFFFFA0  }
0x18: {  	v3 =	vld [tilespmem:$0x0];
	_ =	sdelay $0x4  }
0x19: {  	v4 =	vshrl.u32 v3, $0x3  }
0x1a: {  	v4 =	vmul.u32 $0x30, v4  }
0x1b: {  	v3 =	vand.u32 $0x7, v3  }
0x1c: {  	v3 =	vor.u32 v3, v4  }
0x1d: {  	v4 =	vperm.xlane v3, v0;
	_ =	sdelay $0x1  }
0x1e: {  	v4 =	vadd.s32 v1, v4;
	_ =	sdelay $0x3  }
0x1f: {  	s0 =	simm.s32 $0x80;
	v3 =	vperm.xlane v3, v2  }
0x20: {  	[tilespmem:s0], [sflag:$0x1] =	stream.indirect_vreg.gather [hbm4b:s2+s3], $0x80, v4, vm0, $0xb8;
	[tilespmem:$0x12080] =	vst v63  }
0x21: {  	v3 =	vadd.s32 v1, v3  }
0x22: {  	[tilespmem:s23], [sflag:$0x1] =	stream.indirect_vreg.gather [hbm4b:s5+s3], $0x80, v4, vm0, $0xb8;
	[tilespmem:$0x12080] =	vst v63  }
0x23: {  	_ = 	snop  }
0x24: {  	[tilespmem:s24], [sflag:$0x1] =	stream.indirect_vreg.gather [hbm4b:s6+s3], $0x80, v4, vm0, $0xb8;
	[tilespmem:$0x12080] =	vst v63  }
0x25: {  	_ = 	snop  }
0x26: {  	[tilespmem:s25], [sflag:$0x1] =	stream.indirect_vreg.gather [hbm4b:s2+s3], $0x80, v3, vm0, $0xb8;
	[tilespmem:$0x12080] =	vst v63  }
0x27: {  	_ = 	snop  }
0x28: {  	[tilespmem:s26], [sflag:$0x1] =	stream.indirect_vreg.gather [hbm4b:s5+s3], $0x80, v3, vm0, $0xb8;
	[tilespmem:$0x12080] =	vst v63  }
0x29: {  	_ = 	snop  }
0x2a: {  	[tilespmem:s28], [sflag:$0x1] =	stream.indirect_vreg.gather [hbm4b:s6+s3], $0x80, v3, vm0, $0xb8;
	[tilespmem:$0x12080] =	vst v63  }
0x2b: {  	v3 =	vld [tilespmem:$0x10];
	_ =	sdelay $0x4  }
0x2c: {  	v53 =	vshrl.u32 v3, $0x3  }
0x2d: {  	v4 =	vmul.u32 $0x30, v53  }
0x2e: {  	v3 =	vand.u32 $0x7, v3  }
0x2f: {  	v3 =	vor.u32 v3, v4  }
0x30: {  	v4 =	vperm.xlane v3, v0;
	_ =	sdelay $0x1  }
0x31: {  	v4 =	vadd.s32 v1, v4;
	_ =	sdelay $0x3  }
0x32: {  	v3 =	vperm.xlane v3, v2  }
0x33: {  	[tilespmem:s29], [sflag:$0x1] =	stream.indirect_vreg.gather [hbm4b:s2+s3], $0x80, v4, vm0, $0xb8;
	[tilespmem:$0x12080] =	vst v63  }
0x34: {  	v3 =	vadd.s32 v1, v3  }
0x35: {  	[tilespmem:s30], [sflag:$0x1] =	stream.indirect_vreg.gather [hbm4b:s5+s3], $0x80, v4, vm0, $0xb8;
	[tilespmem:$0x12080] =	vst v63  }
0x36: {  	_ = 	snop  }
0x37: {  	[tilespmem:s31], [sflag:$0x1] =	stream.indirect_vreg.gather [hbm4b:s6+s3], $0x80, v4, vm0, $0xb8;
	[tilespmem:$0x12080] =	vst v63  }
0x38: {  	_ = 	snop  }
0x39: {  	[tilespmem:s1], [sflag:$0x1] =	stream.indirect_vreg.gather [hbm4b:s2+s3], $0x80, v3, vm0, $0xb8;
	[tilespmem:$0x12080] =	vst v63  }
0x3a: {  	s22 =	simm.s32 $0x5080  }
0x3b: {  	[tilespmem:s22], [sflag:$0x1] =	stream.indirect_vreg.gather [hbm4b:s5+s3], $0x80, v3, vm0, $0xb8;
	[tilespmem:$0x12080] =	vst v63  }
0x3c: {  	_ = 	snop  }
0x3d: {  	[tilespmem:s4], [sflag:$0x1] =	stream.indirect_vreg.gather [hbm4b:s6+s3], $0x80, v3, vm0, $0xb8;
	[tilespmem:$0x12080] =	vst v63  }
0x3e: {  	v3 =	vld [tilespmem:$0x20];
	_ =	sdelay $0x4  }
0x3f: {  	v54 =	vshrl.u32 v3, $0x3  }
0x40: {  	v4 =	vmul.u32 $0x30, v54  }
0x41: {  	v3 =	vand.u32 $0x7, v3  }
0x42: {  	v3 =	vor.u32 v3, v4  }
0x43: {  	v4 =	vperm.xlane v3, v0;
	_ =	sdelay $0x1  }
0x44: {  	v4 =	vadd.s32 v1, v4;
	_ =	sdelay $0x3  }
0x45: {  	v3 =	vperm.xlane v3, v2  }
0x46: {  	[tilespmem:s10], [sflag:$0x1] =	stream.indirect_vreg.gather [hbm4b:s2+s3], $0x80, v4, vm0, $0xb8;
	[tilespmem:$0x12080] =	vst v63  }
0x47: {  	v3 =	vadd.s32 v1, v3  }
0x48: {  	[tilespmem:s11], [sflag:$0x1] =	stream.indirect_vreg.gather [hbm4b:s5+s3], $0x80, v4, vm0, $0xb8;
	[tilespmem:$0x12080] =	vst v63  }
0x49: {  	_ = 	snop  }
0x4a: {  	[tilespmem:s12], [sflag:$0x1] =	stream.indirect_vreg.gather [hbm4b:s6+s3], $0x80, v4, vm0, $0xb8;
	[tilespmem:$0x12080] =	vst v63  }
0x4b: {  	_ = 	snop  }
0x4c: {  	[tilespmem:s13], [sflag:$0x1] =	stream.indirect_vreg.gather [hbm4b:s2+s3], $0x80, v3, vm0, $0xb8;
	[tilespmem:$0x12080] =	vst v63  }
0x4d: {  	_ = 	snop  }
0x4e: {  	[tilespmem:s14], [sflag:$0x1] =	stream.indirect_vreg.gather [hbm4b:s5+s3], $0x80, v3, vm0, $0xb8;
	[tilespmem:$0x12080] =	vst v63  }
0x4f: {  	_ = 	snop  }
0x50: {  	[tilespmem:s15], [sflag:$0x1] =	stream.indirect_vreg.gather [hbm4b:s6+s3], $0x80, v3, vm0, $0xb8;
	[tilespmem:$0x12080] =	vst v63  }
0x51: {  	v3 =	vld [tilespmem:$0x30];
	_ =	sdelay $0x4  }
0x52: {  	v55 =	vshrl.u32 v3, $0x3  }
0x53: {  	v4 =	vmul.u32 $0x30, v55  }
0x54: {  	v3 =	vand.u32 $0x7, v3  }
0x55: {  	v3 =	vor.u32 v3, v4  }
0x56: {  	v4 =	vperm.xlane v3, v0;
	_ =	sdelay $0x1  }
0x57: {  	v4 =	vadd.s32 v1, v4;
	_ =	sdelay $0x3  }
0x58: {  	v3 =	vperm.xlane v3, v2  }
0x59: {  	[tilespmem:s16], [sflag:$0x1] =	stream.indirect_vreg.gather [hbm4b:s2+s3], $0x80, v4, vm0, $0xb8;
	[tilespmem:$0x12080] =	vst v63  }
0x5a: {  	v3 =	vadd.s32 v1, v3  }
0x5b: {  	[tilespmem:s17], [sflag:$0x1] =	stream.indirect_vreg.gather [hbm4b:s5+s3], $0x80, v4, vm0, $0xb8;
	[tilespmem:$0x12080] =	vst v63  }
0x5c: {  	_ = 	snop  }
0x5d: {  	[tilespmem:s18], [sflag:$0x1] =	stream.indirect_vreg.gather [hbm4b:s6+s3], $0x80, v4, vm0, $0xb8;
	[tilespmem:$0x12080] =	vst v63  }
0x5e: {  	_ = 	snop  }
0x5f: {  	[tilespmem:s19], [sflag:$0x1] =	stream.indirect_vreg.gather [hbm4b:s2+s3], $0x80, v3, vm0, $0xb8;
	[tilespmem:$0x12080] =	vst v63  }
0x60: {  	_ = 	snop  }
0x61: {  	[tilespmem:s20], [sflag:$0x1] =	stream.indirect_vreg.gather [hbm4b:s5+s3], $0x80, v3, vm0, $0xb8;
	[tilespmem:$0x12080] =	vst v63  }
0x62: {  	_ = 	snop  }
0x63: {  	[tilespmem:s9], [sflag:$0x1] =	stream.indirect_vreg.gather [hbm4b:s6+s3], $0x80, v3, vm0, $0xb8;
	[tilespmem:$0x12080] =	vst v63  }
0x64: {  	v3 =	vld [tilespmem:$0x40];
	_ =	sdelay $0x4  }
0x65: {  	v56 =	vshrl.u32 v3, $0x3  }
0x66: {  	v4 =	vmul.u32 $0x30, v56  }
0x67: {  	v3 =	vand.u32 $0x7, v3  }
0x68: {  	v3 =	vor.u32 v3, v4  }
0x69: {  	v4 =	vperm.xlane v3, v0;
	_ =	sdelay $0x1  }
0x6a: {  	v4 =	vadd.s32 v1, v4;
	_ =	sdelay $0x3  }
0x6b: {  	s22 =	simm.s32 $0xC080;
	v3 =	vperm.xlane v3, v2  }
0x6c: {  	[tilespmem:s22], [sflag:$0x1] =	stream.indirect_vreg.gather [hbm4b:s2+s3], $0x80, v4, vm0, $0xb8;
	[tilespmem:$0x12080] =	vst v63  }
0x6d: {  	v3 =	vadd.s32 v1, v3;
	s22 =	simm.s32 $0xC880  }
0x6e: {  	[tilespmem:s22], [sflag:$0x1] =	stream.indirect_vreg.gather [hbm4b:s5+s3], $0x80, v4, vm0, $0xb8;
	[tilespmem:$0x12080] =	vst v63  }
0x6f: {  	s22 =	simm.s32 $0xD080  }
0x70: {  	[tilespmem:s22], [sflag:$0x1] =	stream.indirect_vreg.gather [hbm4b:s6+s3], $0x80, v4, vm0, $0xb8;
	[tilespmem:$0x12080] =	vst v63  }
0x71: {  	s22 =	simm.s32 $0xD880  }
0x72: {  	[tilespmem:s22], [sflag:$0x1] =	stream.indirect_vreg.gather [hbm4b:s2+s3], $0x80, v3, vm0, $0xb8;
	[tilespmem:$0x12080] =	vst v63  }
0x73: {  	s22 =	simm.s32 $0xE080  }
0x74: {  	[tilespmem:s22], [sflag:$0x1] =	stream.indirect_vreg.gather [hbm4b:s5+s3], $0x80, v3, vm0, $0xb8;
	[tilespmem:$0x12080] =	vst v63  }
0x75: {  	s22 =	simm.s32 $0xE880  }
0x76: {  	[tilespmem:s22], [sflag:$0x1] =	stream.indirect_vreg.gather [hbm4b:s6+s3], $0x80, v3, vm0, $0xb8;
	[tilespmem:$0x12080] =	vst v63  }
0x77: {  	v3 =	vld [tilespmem:$0x50];
	_ =	sdelay $0x4  }
0x78: {  	v57 =	vshrl.u32 v3, $0x3  }
0x79: {  	v4 =	vmul.u32 $0x30, v57  }
0x7a: {  	v3 =	vand.u32 $0x7, v3  }
0x7b: {  	v3 =	vor.u32 v3, v4  }
0x7c: {  	v4 =	vperm.xlane v3, v0;
	_ =	sdelay $0x1  }
0x7d: {  	v4 =	vadd.s32 v1, v4;
	_ =	sdelay $0x3  }
0x7e: {  	s22 =	simm.s32 $0xF080;
	v3 =	vperm.xlane v3, v2  }
0x7f: {  	[tilespmem:s22], [sflag:$0x1] =	stream.indirect_vreg.gather [hbm4b:s2+s3], $0x80, v4, vm0, $0xb8;
	[tilespmem:$0x12080] =	vst v63  }
0x80: {  	v3 =	vadd.s32 v1, v3;
	s22 =	simm.s32 $0xF880  }
0x81: {  	[tilespmem:s22], [sflag:$0x1] =	stream.indirect_vreg.gather [hbm4b:s5+s3], $0x80, v4, vm0, $0xb8;
	[tilespmem:$0x12080] =	vst v63  }
0x82: {  	s22 =	simm.s32 $0x10080  }
0x83: {  	[tilespmem:s22], [sflag:$0x1] =	stream.indirect_vreg.gather [hbm4b:s6+s3], $0x80, v4, vm0, $0xb8;
	[tilespmem:$0x12080] =	vst v63  }
0x84: {  	s22 =	simm.s32 $0x10880  }
0x85: {  	[tilespmem:s22], [sflag:$0x1] =	stream.indirect_vreg.gather [hbm4b:s2+s3], $0x80, v3, vm0, $0xb8;
	[tilespmem:$0x12080] =	vst v63  }
0x86: {  	s22 =	simm.s32 $0x11080  }
0x87: {  	[tilespmem:s22], [sflag:$0x1] =	stream.indirect_vreg.gather [hbm4b:s5+s3], $0x80, v3, vm0, $0xb8;
	[tilespmem:$0x12080] =	vst v63  }
0x88: {  	s22 =	simm.s32 $0x11880  }
0x89: {  	[tilespmem:s22], [sflag:$0x1] =	stream.indirect_vreg.gather [hbm4b:s6+s3], $0x80, v3, vm0, $0xb8;
	[tilespmem:$0x12080] =	vst v63  }
0x8a: {  	_ =	swait.ge [sflag:s21], $0x12000  }
0x8b: {  	[sflag:s21] =	ssyncset.done $0x0  }
0x8c: {  	s0 =	simm.s32 $0x80;
	s22 =	rddreg [dreg:$0x3];
	[sflag:s21] =	ssyncadd.s32 $0xFFFEE000  }
0x8d: {  	[hbm4b:s22+s3] =	stream.linear.scatter [tilespmem:s0], [sflag:$0x2], $0x12000, $0x38;
	[tilespmem:$0x12080] =	vst v63  }
0x8e: {  	_ =	swait.ge [sflag:s8], $0x12000  }
0x8f: {  	[sflag:s8] =	ssyncset.done $0x0  }
0x90: {  	s22 =	rddreg [dreg:$0x4];
	[sflag:s8] =	ssyncadd.s32 $0xFFFEE000  }
0x91: {  	[tilespmem:s3], [sflag:$0x2] =	stream.linear.gather [hbm4b:s22+s3], $0x60, $0x38;
	[tilespmem:$0x12080] =	vst v63  }
0x92: {  	_ =	swait.ge [sflag:s8], $0x60  }
0x93: {  	[sflag:s8] =	ssyncset.done $0x0  }
0x94: {  	[sflag:s8] =	ssyncadd.s32 $0xFFFFFFA0  }
0x95: {  	v3 =	vld [tilespmem:$0x0];
	_ =	sdelay $0x4  }
0x96: {  	v58 =	vshrl.u32 v3, $0x3  }
0x97: {  	v4 =	vmul.u32 $0x30, v58  }
0x98: {  	v3 =	vand.u32 $0x7, v3  }
0x99: {  	v3 =	vor.u32 v3, v4  }
0x9a: {  	v4 =	vperm.xlane v3, v0;
	_ =	sdelay $0x1  }
0x9b: {  	v4 =	vadd.s32 v1, v4;
	_ =	sdelay $0x3  }
0x9c: {  	v3 =	vperm.xlane v3, v2  }
0x9d: {  	[tilespmem:s0], [sflag:$0x1] =	stream.indirect_vreg.gather [hbm4b:s2+s3], $0x80, v4, vm0, $0xb8;
	[tilespmem:$0x12080] =	vst v63  }
0x9e: {  	v3 =	vadd.s32 v1, v3  }
0x9f: {  	[tilespmem:s23], [sflag:$0x1] =	stream.indirect_vreg.gather [hbm4b:s5+s3], $0x80, v4, vm0, $0xb8;
	[tilespmem:$0x12080] =	vst v63  }
0xa0: {  	_ = 	snop  }
0xa1: {  	[tilespmem:s24], [sflag:$0x1] =	stream.indirect_vreg.gather [hbm4b:s6+s3], $0x80, v4, vm0, $0xb8;
	[tilespmem:$0x12080] =	vst v63  }
0xa2: {  	_ = 	snop  }
0xa3: {  	[tilespmem:s25], [sflag:$0x1] =	stream.indirect_vreg.gather [hbm4b:s2+s3], $0x80, v3, vm0, $0xb8;
	[tilespmem:$0x12080] =	vst v63  }
0xa4: {  	_ = 	snop  }
0xa5: {  	[tilespmem:s26], [sflag:$0x1] =	stream.indirect_vreg.gather [hbm4b:s5+s3], $0x80, v3, vm0, $0xb8;
	[tilespmem:$0x12080] =	vst v63  }
0xa6: {  	_ = 	snop  }
0xa7: {  	[tilespmem:s28], [sflag:$0x1] =	stream.indirect_vreg.gather [hbm4b:s6+s3], $0x80, v3, vm0, $0xb8;
	[tilespmem:$0x12080] =	vst v63  }
0xa8: {  	v3 =	vld [tilespmem:$0x10];
	_ =	sdelay $0x4  }
0xa9: {  	v59 =	vshrl.u32 v3, $0x3  }
0xaa: {  	v4 =	vmul.u32 $0x30, v59  }
0xab: {  	v3 =	vand.u32 $0x7, v3  }
0xac: {  	v3 =	vor.u32 v3, v4  }
0xad: {  	v4 =	vperm.xlane v3, v0;
	_ =	sdelay $0x1  }
0xae: {  	v4 =	vadd.s32 v1, v4;
	_ =	sdelay $0x3  }
0xaf: {  	v3 =	vperm.xlane v3, v2  }
0xb0: {  	[tilespmem:s29], [sflag:$0x1] =	stream.indirect_vreg.gather [hbm4b:s2+s3], $0x80, v4, vm0, $0xb8;
	[tilespmem:$0x12080] =	vst v63  }
0xb1: {  	v3 =	vadd.s32 v1, v3  }
0xb2: {  	[tilespmem:s30], [sflag:$0x1] =	stream.indirect_vreg.gather [hbm4b:s5+s3], $0x80, v4, vm0, $0xb8;
	[tilespmem:$0x12080] =	vst v63  }
0xb3: {  	_ = 	snop  }
0xb4: {  	[tilespmem:s31], [sflag:$0x1] =	stream.indirect_vreg.gather [hbm4b:s6+s3], $0x80, v4, vm0, $0xb8;
	[tilespmem:$0x12080] =	vst v63  }
0xb5: {  	_ = 	snop  }
0xb6: {  	[tilespmem:s1], [sflag:$0x1] =	stream.indirect_vreg.gather [hbm4b:s2+s3], $0x80, v3, vm0, $0xb8;
	[tilespmem:$0x12080] =	vst v63  }
0xb7: {  	s22 =	simm.s32 $0x5080  }
0xb8: {  	[tilespmem:s22], [sflag:$0x1] =	stream.indirect_vreg.gather [hbm4b:s5+s3], $0x80, v3, vm0, $0xb8;
	[tilespmem:$0x12080] =	vst v63  }
0xb9: {  	_ = 	snop  }
0xba: {  	[tilespmem:s4], [sflag:$0x1] =	stream.indirect_vreg.gather [hbm4b:s6+s3], $0x80, v3, vm0, $0xb8;
	[tilespmem:$0x12080] =	vst v63  }
0xbb: {  	v3 =	vld [tilespmem:$0x20];
	_ =	sdelay $0x4  }
0xbc: {  	v60 =	vshrl.u32 v3, $0x3  }
0xbd: {  	v4 =	vmul.u32 $0x30, v60  }
0xbe: {  	v3 =	vand.u32 $0x7, v3  }
0xbf: {  	v3 =	vor.u32 v3, v4  }
0xc0: {  	v4 =	vperm.xlane v3, v0;
	_ =	sdelay $0x1  }
0xc1: {  	v4 =	vadd.s32 v1, v4;
	_ =	sdelay $0x3  }
0xc2: {  	v3 =	vperm.xlane v3, v2  }
0xc3: {  	[tilespmem:s10], [sflag:$0x1] =	stream.indirect_vreg.gather [hbm4b:s2+s3], $0x80, v4, vm0, $0xb8;
	[tilespmem:$0x12080] =	vst v63  }
0xc4: {  	v3 =	vadd.s32 v1, v3  }
0xc5: {  	[tilespmem:s11], [sflag:$0x1] =	stream.indirect_vreg.gather [hbm4b:s5+s3], $0x80, v4, vm0, $0xb8;
	[tilespmem:$0x12080] =	vst v63  }
0xc6: {  	_ = 	snop  }
0xc7: {  	[tilespmem:s12], [sflag:$0x1] =	stream.indirect_vreg.gather [hbm4b:s6+s3], $0x80, v4, vm0, $0xb8;
	[tilespmem:$0x12080] =	vst v63  }
0xc8: {  	_ = 	snop  }
0xc9: {  	[tilespmem:s13], [sflag:$0x1] =	stream.indirect_vreg.gather [hbm4b:s2+s3], $0x80, v3, vm0, $0xb8;
	[tilespmem:$0x12080] =	vst v63  }
0xca: {  	_ = 	snop  }
0xcb: {  	[tilespmem:s14], [sflag:$0x1] =	stream.indirect_vreg.gather [hbm4b:s5+s3], $0x80, v3, vm0, $0xb8;
	[tilespmem:$0x12080] =	vst v63  }
0xcc: {  	_ = 	snop  }
0xcd: {  	[tilespmem:s15], [sflag:$0x1] =	stream.indirect_vreg.gather [hbm4b:s6+s3], $0x80, v3, vm0, $0xb8;
	[tilespmem:$0x12080] =	vst v63  }
0xce: {  	v3 =	vld [tilespmem:$0x30];
	_ =	sdelay $0x4  }
0xcf: {  	v61 =	vshrl.u32 v3, $0x3  }
0xd0: {  	v4 =	vmul.u32 $0x30, v61  }
0xd1: {  	v3 =	vand.u32 $0x7, v3  }
0xd2: {  	v3 =	vor.u32 v3, v4  }
0xd3: {  	v4 =	vperm.xlane v3, v0;
	_ =	sdelay $0x1  }
0xd4: {  	v4 =	vadd.s32 v1, v4;
	_ =	sdelay $0x3  }
0xd5: {  	v3 =	vperm.xlane v3, v2  }
0xd6: {  	[tilespmem:s16], [sflag:$0x1] =	stream.indirect_vreg.gather [hbm4b:s2+s3], $0x80, v4, vm0, $0xb8;
	[tilespmem:$0x12080] =	vst v63  }
0xd7: {  	v3 =	vadd.s32 v1, v3  }
0xd8: {  	[tilespmem:s17], [sflag:$0x1] =	stream.indirect_vreg.gather [hbm4b:s5+s3], $0x80, v4, vm0, $0xb8;
	[tilespmem:$0x12080] =	vst v63  }
0xd9: {  	_ = 	snop  }
0xda: {  	[tilespmem:s18], [sflag:$0x1] =	stream.indirect_vreg.gather [hbm4b:s6+s3], $0x80, v4, vm0, $0xb8;
	[tilespmem:$0x12080] =	vst v63  }
0xdb: {  	_ = 	snop  }
0xdc: {  	[tilespmem:s19], [sflag:$0x1] =	stream.indirect_vreg.gather [hbm4b:s2+s3], $0x80, v3, vm0, $0xb8;
	[tilespmem:$0x12080] =	vst v63  }
0xdd: {  	_ = 	snop  }
0xde: {  	[tilespmem:s20], [sflag:$0x1] =	stream.indirect_vreg.gather [hbm4b:s5+s3], $0x80, v3, vm0, $0xb8;
	[tilespmem:$0x12080] =	vst v63  }
0xdf: {  	_ = 	snop  }
0xe0: {  	[tilespmem:s9], [sflag:$0x1] =	stream.indirect_vreg.gather [hbm4b:s6+s3], $0x80, v3, vm0, $0xb8;
	[tilespmem:$0x12080] =	vst v63  }
0xe1: {  	v3 =	vld [tilespmem:$0x40];
	_ =	sdelay $0x4  }
0xe2: {  	v62 =	vshrl.u32 v3, $0x3  }
0xe3: {  	v4 =	vmul.u32 $0x30, v62  }
0xe4: {  	v3 =	vand.u32 $0x7, v3  }
0xe5: {  	v3 =	vor.u32 v3, v4  }
0xe6: {  	v4 =	vperm.xlane v3, v0;
	_ =	sdelay $0x1  }
0xe7: {  	v4 =	vadd.s32 v1, v4;
	_ =	sdelay $0x3  }
0xe8: {  	s22 =	simm.s32 $0xC080;
	v3 =	vperm.xlane v3, v2  }
0xe9: {  	[tilespmem:s22], [sflag:$0x1] =	stream.indirect_vreg.gather [hbm4b:s2+s3], $0x80, v4, vm0, $0xb8;
	[tilespmem:$0x12080] =	vst v63  }
0xea: {  	v3 =	vadd.s32 v1, v3;
	s22 =	simm.s32 $0xC880  }
0xeb: {  	[tilespmem:s22], [sflag:$0x1] =	stream.indirect_vreg.gather [hbm4b:s5+s3], $0x80, v4, vm0, $0xb8;
	[tilespmem:$0x12080] =	vst v63  }
0xec: {  	s22 =	simm.s32 $0xD080  }
0xed: {  	[tilespmem:s22], [sflag:$0x1] =	stream.indirect_vreg.gather [hbm4b:s6+s3], $0x80, v4, vm0, $0xb8;
	[tilespmem:$0x12080] =	vst v63  }
0xee: {  	s22 =	simm.s32 $0xD880  }
0xef: {  	[tilespmem:s22], [sflag:$0x1] =	stream.indirect_vreg.gather [hbm4b:s2+s3], $0x80, v3, vm0, $0xb8;
	[tilespmem:$0x12080] =	vst v63  }
0xf0: {  	s22 =	simm.s32 $0xE080  }
0xf1: {  	[tilespmem:s22], [sflag:$0x1] =	stream.indirect_vreg.gather [hbm4b:s5+s3], $0x80, v3, vm0, $0xb8;
	[tilespmem:$0x12080] =	vst v63  }
0xf2: {  	s22 =	simm.s32 $0xE880  }
0xf3: {  	[tilespmem:s22], [sflag:$0x1] =	stream.indirect_vreg.gather [hbm4b:s6+s3], $0x80, v3, vm0, $0xb8;
	[tilespmem:$0x12080] =	vst v63  }
0xf4: {  	v3 =	vld [tilespmem:$0x50];
	_ =	sdelay $0x4  }
0xf5: {  	v63 =	vshrl.u32 v3, $0x3  }
0xf6: {  	v4 =	vmul.u32 $0x30, v63  }
0xf7: {  	v3 =	vand.u32 $0x7, v3  }
0xf8: {  	v3 =	vor.u32 v3, v4  }
0xf9: {  	v4 =	vperm.xlane v3, v0;
	_ =	sdelay $0x1  }
0xfa: {  	v4 =	vadd.s32 v1, v4;
	_ =	sdelay $0x3  }
0xfb: {  	s22 =	simm.s32 $0xF080;
	v3 =	vperm.xlane v3, v2  }
0xfc: {  	[tilespmem:s22], [sflag:$0x1] =	stream.indirect_vreg.gather [hbm4b:s2+s3], $0x80, v4, vm0, $0xb8;
	[tilespmem:$0x12080] =	vst v63  }
0xfd: {  	v3 =	vadd.s32 v1, v3;
	s22 =	simm.s32 $0xF880  }
0xfe: {  	[tilespmem:s22], [sflag:$0x1] =	stream.indirect_vreg.gather [hbm4b:s5+s3], $0x80, v4, vm0, $0xb8;
	[tilespmem:$0x12080] =	vst v63  }
0xff: {  	s22 =	simm.s32 $0x10080  }
0x100: {  	[tilespmem:s22], [sflag:$0x1] =	stream.indirect_vreg.gather [hbm4b:s6+s3], $0x80, v4, vm0, $0xb8;
	[tilespmem:$0x12080] =	vst v63  }
0x101: {  	s22 =	simm.s32 $0x10880  }
0x102: {  	[tilespmem:s22], [sflag:$0x1] =	stream.indirect_vreg.gather [hbm4b:s2+s3], $0x80, v3, vm0, $0xb8;
	[tilespmem:$0x12080] =	vst v63  }
0x103: {  	s22 =	simm.s32 $0x11080  }
0x104: {  	[tilespmem:s22], [sflag:$0x1] =	stream.indirect_vreg.gather [hbm4b:s5+s3], $0x80, v3, vm0, $0xb8;
	[tilespmem:$0x12080] =	vst v63  }
0x105: {  	s22 =	simm.s32 $0x11880  }
0x106: {  	[tilespmem:s22], [sflag:$0x1] =	stream.indirect_vreg.gather [hbm4b:s6+s3], $0x80, v3, vm0, $0xb8;
	[tilespmem:$0x12080] =	vst v63  }
0x107: {  	_ =	swait.ge [sflag:s21], $0x12000  }
0x108: {  	p0 =	sne.s32 s7, $0x1;
	s0 =	simm.s32 $0x80;
	[sflag:s21] =	ssyncset.done $0x0  }
.Ltmp0:
0x109: {  	s22 =	rddreg [dreg:$0x5];
	[sflag:s21] =	ssyncadd.s32 $0xFFFEE000;
	(pc) =	sbr.rel @p0 .LBB2_1-.Ltmp0, $4  }
0x10a: {  	[hbm4b:s22+s3] =	stream.linear.scatter [tilespmem:s0], [sflag:$0x2], $0x12000, $0x38;
	[tilespmem:$0x12080] =	vst v63  }
0x10b: {  	_ =	swait.ge [sflag:s8], $0x12000  }
0x10c: {  	[sflag:s8] =	ssyncset.done $0x0  }
0x10d: {  	s7 =	sadd.s32 $0xFFFFFFFF, s7;
	[sflag:s8] =	ssyncadd.s32 $0xFFFEE000  }
0x10e: {  	_ =	sfence.sel $0x180000  }
0x10f: {  	[bflag:$0x0] =	sbarrier.arrive $0xFFFF  }
0x110: {  	_ =	strace $0x90000047  }
0x111: {  	s0 =	stileid.u32;
	[bflag:$0x2] =	sbarrier.arrive $0xFFFF  }
0x112: {  	p0 =	sne.s32 s0, $0x0;
	s0 =	rddreg [dreg:$0x2]  }
0x113: {  	s0 =	sadd.s32 @!p0 $0x100000, s0  }
0x114: {  	[sflag:s0] =	ssyncadd.tile.s32 @!p0 $0x1;
	_ =	shalt  }
.Lfunc_end2:
_tile_overlayer_lowered:
.L_overlay_start_2:
0x115: {  	(tag) =	ssettag $0x2  }
0x116: {  	s0 =	rddreg [dreg:$0x0];
	s2 =	stileid.u32  }
0x117: {  	s1 =	rddreg [dreg:$0x1];
	p0 =	sne.s32 s2, $0x0  }
0x118: {  	s3 =	rddreg [dreg:$0x2];
	[bflag:$0x3] =	sbarrier.arrive $0xFFFF;
	s2 =	simm.s32 @!p0 $0x1C02  }
0x119: {  	[timem:s3], [sflag:s2] =	dma.local @!p0 [hbm:s0], s1  }
0x11a: {  	s0 =	simm.s32 @!p0 $0x2  }
0x11b: {  	_ =	swait.ge @!p0 [sflag:s0], s1  }
0x11c: {  	s1 =	ssub.s32 @!p0 $0x0, s1;
	[sflag:s0] =	ssyncset.done @!p0 $0x0  }
0x11d: {  	[sflag:s0] =	ssyncadd.s32 @!p0 s1  }
0x11e: {  	[bflag:$0x3] =	sbarrier.arrive $0xFFFF  }
0x11f: {  	_ =	shalt  }

</sc_bundles>
